<compile_context>
chip_gen: v7x
topology: tpu7x:2x2x1
jax: 0.10.2.dev20260603
libtpu: 0.0.44.dev20260713+nightly
codegen_flags: <defaults>
</compile_context>

<pallas_src>
import functools

import numpy as np

import jax
import jax.numpy as jnp
from jax import lax
from jax.experimental import pallas as pl
from jax.experimental.pallas import tpu as pltpu
from jax.experimental.pallas import tpu_sc as plsc

N = 10000
E = 320000
D = 128
G = 64
NC = 2
NS = 16
NW = NC * NS
CHUNK = 125
CPW = E // (NW * CHUNK)
NGROUPS = 2
GS = CPW // NGROUPS
ROWS2D = E // CHUNK
NPAD = 10112
RPS = NPAD // NS

BLK = 2000
NB = N // BLK


def _sc_agg_body(h_hbm, edges_hbm, zeros_hbm, out_hbm,
                 src_v, dst_v, rows0_v, rows1_v, agg_sh,
                 gsem0, gsem1, ssem0, ssem1):
    c = lax.axis_index("c")
    s = lax.axis_index("s")
    wid = c * NS + s
    rows = (rows0_v, rows1_v)
    gsems = (gsem0, gsem1)
    ssems = (ssem0, ssem1)

    zc = pltpu.async_copy(zeros_hbm.at[pl.ds(s * RPS, RPS)],
                          agg_sh.at[pl.ds(s * RPS, RPS)], ssem0)
    sc0 = pltpu.async_copy(edges_hbm.at[0, pl.ds(wid * CPW, GS)], src_v, ssem1)
    dc0 = pltpu.async_copy(edges_hbm.at[1, pl.ds(wid * CPW, GS)], dst_v, gsem1)
    sc0.wait()
    dc0.wait()
    pltpu.async_copy(h_hbm.at[src_v.at[0]], rows0_v, gsem0)
    zc.wait()
    plsc.subcore_barrier()

    for g in range(NGROUPS):
        if g > 0:
            pltpu.sync_copy(edges_hbm.at[0, pl.ds(wid * CPW + g * GS, GS)],
                            src_v)
            pltpu.sync_copy(edges_hbm.at[1, pl.ds(wid * CPW + g * GS, GS)],
                            dst_v)
            pltpu.async_copy(h_hbm.at[src_v.at[0]], rows0_v, gsem0)

        @pl.loop(0, GS, step=2)
        def _(j):
            for b in range(2):
                je = j + b
                pltpu.make_async_copy(h_hbm.at[src_v.at[je]], rows[b],
                                      gsems[b]).wait()
                nxt = je + 1

                @pl.when(nxt < GS)
                def _():
                    pltpu.async_copy(h_hbm.at[src_v.at[nxt]], rows[1 - b],
                                     gsems[1 - b])

                pltpu.sync_copy(rows[b], agg_sh.at[dst_v.at[je]], add=True)

    plsc.subcore_barrier()

    pltpu.sync_copy(agg_sh.at[pl.ds(s * RPS, RPS)],
                    out_hbm.at[c, pl.ds(s * RPS, RPS)])


@functools.cache
def _get_sc_agg():
    return pl.kernel(
        _sc_agg_body,
        out_type=jax.ShapeDtypeStruct((NC, NPAD, D), jnp.float32),
        mesh=plsc.VectorSubcoreMesh(core_axis_name="c", subcore_axis_name="s",
                                    num_cores=NC, num_subcores=NS),
        scratch_types=[
            pltpu.VMEM((GS, CHUNK), jnp.int32),
            pltpu.VMEM((GS, CHUNK), jnp.int32),
            pltpu.VMEM((CHUNK, D), jnp.float32),
            pltpu.VMEM((CHUNK, D), jnp.float32),
            pltpu.VMEM_SHARED((NPAD, D), jnp.float32),
            pltpu.SemaphoreType.DMA,
            pltpu.SemaphoreType.DMA,
            pltpu.SemaphoreType.DMA,
            pltpu.SemaphoreType.DMA,
        ],
    )


def _layer_body(h_ref, a_ref, w_ref, b_ref, o_ref):
    acc = h_ref[...] + a_ref[0] + a_ref[1]
    o_ref[...] = jnp.maximum(
        jnp.dot(acc, w_ref[...], preferred_element_type=jnp.float32)
        + b_ref[...], 0.0)


_tc_layer = pl.pallas_call(
    _layer_body,
    grid=(NB,),
    in_specs=[
        pl.BlockSpec((BLK, D), lambda i: (i, 0)),
        pl.BlockSpec((NC, BLK, D), lambda i: (0, i, 0)),
        pl.BlockSpec((D, D), lambda i: (0, 0)),
        pl.BlockSpec((1, D), lambda i: (0, 0)),
    ],
    out_specs=pl.BlockSpec((BLK, D), lambda i: (i, 0)),
    out_shape=jax.ShapeDtypeStruct((N, D), jnp.float32),
)


def _layer3_pool_body(h_ref, a_ref, w_ref, b_ref, batch_ref, wm_ref, bm_ref,
                      o_ref, acc_ref, cnt_ref):
    i = pl.program_id(0)

    @pl.when(i == 0)
    def _():
        acc_ref[...] = jnp.zeros_like(acc_ref)
        cnt_ref[...] = jnp.zeros_like(cnt_ref)

    acc = h_ref[...] + a_ref[0] + a_ref[1]
    h3 = jnp.maximum(
        jnp.dot(acc, w_ref[...], preferred_element_type=jnp.float32)
        + b_ref[...], 0.0)

    bvec = batch_ref[0, 0, :]
    seg = lax.broadcasted_iota(jnp.int32, (G, BLK), 0)
    onehot_t = (bvec[None, :] == seg).astype(jnp.float32)
    acc_ref[...] += jnp.dot(onehot_t, h3,
                            preferred_element_type=jnp.float32)
    cnt_ref[...] += jnp.sum(onehot_t, axis=1, keepdims=True)

    @pl.when(i == NB - 1)
    def _():
        pooled = acc_ref[...] / jnp.maximum(cnt_ref[...], 1.0)
        o_ref[...] = (jnp.dot(pooled, wm_ref[...],
                              preferred_element_type=jnp.float32)
                      + bm_ref[...])


_tc_layer3_pool = pl.pallas_call(
    _layer3_pool_body,
    grid=(NB,),
    in_specs=[
        pl.BlockSpec((BLK, D), lambda i: (i, 0)),
        pl.BlockSpec((NC, BLK, D), lambda i: (0, i, 0)),
        pl.BlockSpec((D, D), lambda i: (0, 0)),
        pl.BlockSpec((1, D), lambda i: (0, 0)),
        pl.BlockSpec((1, 1, BLK), lambda i: (i, 0, 0)),
        pl.BlockSpec((D, D), lambda i: (0, 0)),
        pl.BlockSpec((1, D), lambda i: (0, 0)),
    ],
    out_specs=pl.BlockSpec((G, D), lambda i: (0, 0)),
    out_shape=jax.ShapeDtypeStruct((G, D), jnp.float32),
    scratch_shapes=[
        pltpu.VMEM((G, D), jnp.float32),
        pltpu.VMEM((G, 1), jnp.float32),
    ],
)


def kernel(x, edge_index, batch, W1, b1, W2, b2, W3, b3, Wm, bm):
    edges3 = edge_index.reshape(2, ROWS2D, CHUNK)
    zeros = np.zeros((NPAD, D), np.float32)

    h = x
    for (W, b) in ((W1, b1), (W2, b2)):
        agg2 = _get_sc_agg()(h, edges3, zeros)
        h = _tc_layer(h, agg2, W, b.reshape(1, D))
    agg2 = _get_sc_agg()(h, edges3, zeros)
    return _tc_layer3_pool(h, agg2, W3, b3.reshape(1, D),
                           batch.reshape(NB, 1, BLK), Wm, bm.reshape(1, D))

# --- scband reference (transcript-rebuilt; emitter-appended) ---
"""Pipeline reference for scband-gin-30013231464924 (READ-ONLY COPY).

The authoritative reference and input builder live on the scoring server;
editing this copy changes nothing except your own understanding.
"""

import jax, jax.numpy as jnp
import numpy as np

N = 10000
E = 320000
D = 128
H = 128
O = 128
G = 64
NUM_LAYERS = 3


def setup_inputs(seed: int = 0) -> dict:
    key = jax.random.key(seed)
    ks = jax.random.split(key, 12)
    x = jax.random.normal(ks[0], (N, D), dtype=jnp.float32)
    edge_index = jax.random.randint(ks[1], (2, E), 0, N, dtype=jnp.int32)
    batch = jnp.sort(jax.random.randint(ks[2], (N,), 0, G, dtype=jnp.int32))
    # GINConv MLPs: PyG MLP([in, hidden]) with plain_last=True is a single Linear layer
    s1 = 1.0 / np.sqrt(D)
    W1 = jax.random.uniform(ks[3], (D, H), dtype=jnp.float32, minval=-s1, maxval=s1)
    b1 = jnp.zeros((H,), dtype=jnp.float32)
    s2 = 1.0 / np.sqrt(H)
    W2 = jax.random.uniform(ks[4], (H, H), dtype=jnp.float32, minval=-s2, maxval=s2)
    b2 = jnp.zeros((H,), dtype=jnp.float32)
    W3 = jax.random.uniform(ks[5], (H, H), dtype=jnp.float32, minval=-s2, maxval=s2)
    b3 = jnp.zeros((H,), dtype=jnp.float32)
    Wm = jax.random.uniform(ks[6], (H, O), dtype=jnp.float32, minval=-s2, maxval=s2)
    bm = jnp.zeros((O,), dtype=jnp.float32)
    return {"x": x, "edge_index": edge_index, "batch": batch,
            "W1": W1, "b1": b1, "W2": W2, "b2": b2, "W3": W3, "b3": b3,
            "Wm": Wm, "bm": bm}


def _gin_conv(h, src, dst, W, b, eps):
    # sum-aggregate neighbor features (scatter-add over dst)
    agg = jnp.zeros_like(h).at[dst].add(h[src])
    out = (1.0 + eps) * h + agg
    return out @ W + b


def reference(x, edge_index, batch, W1, b1, W2, b2, W3, b3, Wm, bm):
    src = edge_index[0]
    dst = edge_index[1]
    eps = 0.0  # trainable_eps=False -> eps fixed at 0
    h = x
    for (W, b) in ((W1, b1), (W2, b2), (W3, b3)):
        h = _gin_conv(h, src, dst, W, b, eps)
        h = jax.nn.relu(h)
    # global mean pooling over graph ids
    ones = jnp.ones((h.shape[0],), dtype=h.dtype)
    counts = jax.ops.segment_sum(ones, batch, num_segments=G)
    pooled = jax.ops.segment_sum(h, batch, num_segments=G)
    pooled = pooled / jnp.maximum(counts, 1.0)[:, None]
    # final MLP([hidden, out]) with plain_last=True -> single Linear
    return pooled @ Wm + bm

if __name__ == "__main__":
    import jax
    _d = setup_inputs()
    print(jax.jit(kernel)(*tuple(_d.values())))

</pallas_src>

<mosaic_0001>
#map = affine_map<(d0, d1) -> (0, 0)>
#map1 = affine_map<(d0, d1) -> (0, 0, 0)>
module attributes {stable_mosaic.version = 14 : i64} {
  func.func @_sc_agg_body(%arg0: i32, %arg1: i32, %arg2: memref<10000x128xf32, #tpu.memory_space<hbm>>, %arg3: memref<2x2560x125xi32, #tpu.memory_space<hbm>>, %arg4: memref<10112x128xf32, #tpu.memory_space<hbm>>, %arg5: memref<2x10112x128xf32, #tpu.memory_space<hbm>>, %arg6: memref<40x125xi32, #tpu.memory_space<vmem>>, %arg7: memref<40x125xi32, #tpu.memory_space<vmem>>, %arg8: memref<125x128xf32, #tpu.memory_space<vmem>>, %arg9: memref<125x128xf32, #tpu.memory_space<vmem>>, %arg10: memref<10112x128xf32, #tpu.memory_space<vmem_shared>>, %arg11: memref<!tpu.dma_semaphore, #tpu.memory_space<semaphore_mem>>, %arg12: memref<!tpu.dma_semaphore, #tpu.memory_space<semaphore_mem>>, %arg13: memref<!tpu.dma_semaphore, #tpu.memory_space<semaphore_mem>>, %arg14: memref<!tpu.dma_semaphore, #tpu.memory_space<semaphore_mem>>) attributes {dimension_semantics = [#tpu.dimension_semantics<core_parallel>, #tpu.dimension_semantics<subcore_parallel>], iteration_bounds = array<i64: 2, 16>, scalar_prefetch = 0 : i64, scratch_operands = 9 : i64, tpu.core_type = #tpu.core_type<sc_vector_subcore>, window_params = [{transform_indices = #map}, {transform_indices = #map1}, {transform_indices = #map}, {transform_indices = #map1}]} {
    %mul3A = arith.constant 16 : i32
    %mul3A_0 = arith.muli %arg0, %mul3A : i32
    %add3A = arith.addi %mul3A_0, %arg1 : i32
    %mul3A_1 = arith.constant 632 : i32
    %mul3A_2 = arith.muli %arg1, %mul3A_1 : i32
    %mul3A_3 = arith.constant 632 : i32
    %mul3A_4 = arith.muli %arg1, %mul3A_3 : i32
    %dma_start3A = arith.constant 0 : i32
    %dma_start3A_5 = tpu.memref_slice %arg10[%mul3A_4, %dma_start3A] : memref<10112x128xf32, #tpu.memory_space<vmem_shared>> -> memref<632x128xf32, #tpu.memory_space<vmem_shared>>
    %dma_start3A_6 = arith.constant 0 : i32
    %dma_start3A_7 = tpu.memref_slice %arg4[%mul3A_2, %dma_start3A_6] : memref<10112x128xf32, #tpu.memory_space<hbm>> -> memref<632x128xf32, #tpu.memory_space<hbm>>
    tpu.enqueue_dma source(%dma_start3A_7 : memref<632x128xf32, #tpu.memory_space<hbm>>) target(%dma_start3A_5 : memref<632x128xf32, #tpu.memory_space<vmem_shared>>) target_semaphore(%arg13 : memref<!tpu.dma_semaphore, #tpu.memory_space<semaphore_mem>>)
    %mul3A_8 = arith.constant 80 : i32
    %mul3A_9 = arith.muli %add3A, %mul3A_8 : i32
    %dma_start3A_10 = arith.constant 0 : i32
    %dma_start3A_11 = arith.constant 0 : i32
    %dma_start3A_12 = tpu.memref_slice %arg3[%dma_start3A_10, %mul3A_9, %dma_start3A_11] : memref<2x2560x125xi32, #tpu.memory_space<hbm>> -> memref<1x40x125xi32, #tpu.memory_space<hbm>>
    %dma_start3A_13 = tpu.memref_squeeze %dma_start3A_12 : memref<1x40x125xi32, #tpu.memory_space<hbm>> -> memref<40x125xi32, #tpu.memory_space<hbm>>
    %dma_start3A_14 = arith.constant 0 : i32
    %dma_start3A_15 = tpu.memref_slice %arg3[%dma_start3A_10, %mul3A_9, %dma_start3A_14] : memref<2x2560x125xi32, #tpu.memory_space<hbm>> -> memref<1x40x125xi32, #tpu.memory_space<hbm>>
    %dma_start3A_16 = tpu.memref_squeeze %dma_start3A_15 : memref<1x40x125xi32, #tpu.memory_space<hbm>> -> memref<40x125xi32, #tpu.memory_space<hbm>>
    tpu.enqueue_dma source(%dma_start3A_16 : memref<40x125xi32, #tpu.memory_space<hbm>>) target(%arg6 : memref<40x125xi32, #tpu.memory_space<vmem>>) target_semaphore(%arg14 : memref<!tpu.dma_semaphore, #tpu.memory_space<semaphore_mem>>)
    %mul3A_17 = arith.constant 80 : i32
    %mul3A_18 = arith.muli %add3A, %mul3A_17 : i32
    %dma_start3A_19 = arith.constant 1 : i32
    %dma_start3A_20 = arith.constant 0 : i32
    %dma_start3A_21 = tpu.memref_slice %arg3[%dma_start3A_19, %mul3A_18, %dma_start3A_20] : memref<2x2560x125xi32, #tpu.memory_space<hbm>> -> memref<1x40x125xi32, #tpu.memory_space<hbm>>
    %dma_start3A_22 = tpu.memref_squeeze %dma_start3A_21 : memref<1x40x125xi32, #tpu.memory_space<hbm>> -> memref<40x125xi32, #tpu.memory_space<hbm>>
    %dma_start3A_23 = arith.constant 0 : i32
    %dma_start3A_24 = tpu.memref_slice %arg3[%dma_start3A_19, %mul3A_18, %dma_start3A_23] : memref<2x2560x125xi32, #tpu.memory_space<hbm>> -> memref<1x40x125xi32, #tpu.memory_space<hbm>>
    %dma_start3A_25 = tpu.memref_squeeze %dma_start3A_24 : memref<1x40x125xi32, #tpu.memory_space<hbm>> -> memref<40x125xi32, #tpu.memory_space<hbm>>
    tpu.enqueue_dma source(%dma_start3A_25 : memref<40x125xi32, #tpu.memory_space<hbm>>) target(%arg7 : memref<40x125xi32, #tpu.memory_space<vmem>>) target_semaphore(%arg12 : memref<!tpu.dma_semaphore, #tpu.memory_space<semaphore_mem>>)
    %dma_wait3A = arith.constant 0 : i32
    %dma_wait3A_26 = arith.constant 0 : i32
    %dma_wait3A_27 = tpu.memref_slice %arg3[%dma_wait3A, %mul3A_9, %dma_wait3A_26] : memref<2x2560x125xi32, #tpu.memory_space<hbm>> -> memref<1x40x125xi32, #tpu.memory_space<hbm>>
    %dma_wait3A_28 = tpu.memref_squeeze %dma_wait3A_27 : memref<1x40x125xi32, #tpu.memory_space<hbm>> -> memref<40x125xi32, #tpu.memory_space<hbm>>
    %dma_wait3A_29 = arith.constant 0 : i32
    %dma_wait3A_30 = tpu.memref_slice %arg3[%dma_wait3A, %mul3A_9, %dma_wait3A_29] : memref<2x2560x125xi32, #tpu.memory_space<hbm>> -> memref<1x40x125xi32, #tpu.memory_space<hbm>>
    %dma_wait3A_31 = tpu.memref_squeeze %dma_wait3A_30 : memref<1x40x125xi32, #tpu.memory_space<hbm>> -> memref<40x125xi32, #tpu.memory_space<hbm>>
    tpu.wait_dma2 semaphore(%arg14 : memref<!tpu.dma_semaphore, #tpu.memory_space<semaphore_mem>>) src(%dma_wait3A_31 : memref<40x125xi32, #tpu.memory_space<hbm>>) dst(%arg6 : memref<40x125xi32, #tpu.memory_space<vmem>>)
    %dma_wait3A_32 = arith.constant 1 : i32
    %dma_wait3A_33 = arith.constant 0 : i32
    %dma_wait3A_34 = tpu.memref_slice %arg3[%dma_wait3A_32, %mul3A_18, %dma_wait3A_33] : memref<2x2560x125xi32, #tpu.memory_space<hbm>> -> memref<1x40x125xi32, #tpu.memory_space<hbm>>
    %dma_wait3A_35 = tpu.memref_squeeze %dma_wait3A_34 : memref<1x40x125xi32, #tpu.memory_space<hbm>> -> memref<40x125xi32, #tpu.memory_space<hbm>>
    %dma_wait3A_36 = arith.constant 0 : i32
    %dma_wait3A_37 = tpu.memref_slice %arg3[%dma_wait3A_32, %mul3A_18, %dma_wait3A_36] : memref<2x2560x125xi32, #tpu.memory_space<hbm>> -> memref<1x40x125xi32, #tpu.memory_space<hbm>>
    %dma_wait3A_38 = tpu.memref_squeeze %dma_wait3A_37 : memref<1x40x125xi32, #tpu.memory_space<hbm>> -> memref<40x125xi32, #tpu.memory_space<hbm>>
    tpu.wait_dma2 semaphore(%arg12 : memref<!tpu.dma_semaphore, #tpu.memory_space<semaphore_mem>>) src(%dma_wait3A_38 : memref<40x125xi32, #tpu.memory_space<hbm>>) dst(%arg7 : memref<40x125xi32, #tpu.memory_space<vmem>>)
    %dma_start3A_39 = arith.constant 0 : i32
    %dma_start3A_40 = arith.constant 0 : i32
    %dma_start3A_41 = tpu.memref_slice %arg6[%dma_start3A_39, %dma_start3A_40] : memref<40x125xi32, #tpu.memory_space<vmem>> -> memref<1x125xi32, #tpu.memory_space<vmem>>
    %dma_start3A_42 = tpu.memref_squeeze %dma_start3A_41 : memref<1x125xi32, #tpu.memory_space<vmem>> -> memref<125xi32, #tpu.memory_space<vmem>>
    %dma_start3A_43 = arith.constant 0 : i32
    %dma_start3A_44 = arith.constant 0 : i32
    %dma_start3A_45 = tpu.memref_slice %arg2[%dma_start3A_43, %dma_start3A_44] : memref<10000x128xf32, #tpu.memory_space<hbm>> -> memref<10000x128xf32, #tpu.memory_space<hbm>>
    tpu.enqueue_indirect_dma source(%dma_start3A_45 : memref<10000x128xf32, #tpu.memory_space<hbm>>) target(%arg8 : memref<125x128xf32, #tpu.memory_space<vmem>>) offsets(%dma_start3A_42 : memref<125xi32, #tpu.memory_space<vmem>>) semaphore(%arg11 : memref<!tpu.dma_semaphore, #tpu.memory_space<semaphore_mem>>)
    %dma_wait3A_46 = arith.constant 0 : i32
    %dma_wait3A_47 = tpu.memref_slice %arg10[%mul3A_4, %dma_wait3A_46] : memref<10112x128xf32, #tpu.memory_space<vmem_shared>> -> memref<632x128xf32, #tpu.memory_space<vmem_shared>>
    %dma_wait3A_48 = arith.constant 0 : i32
    %dma_wait3A_49 = tpu.memref_slice %arg4[%mul3A_2, %dma_wait3A_48] : memref<10112x128xf32, #tpu.memory_space<hbm>> -> memref<632x128xf32, #tpu.memory_space<hbm>>
    tpu.wait_dma2 semaphore(%arg13 : memref<!tpu.dma_semaphore, #tpu.memory_space<semaphore_mem>>) src(%dma_wait3A_49 : memref<632x128xf32, #tpu.memory_space<hbm>>) dst(%dma_wait3A_47 : memref<632x128xf32, #tpu.memory_space<vmem_shared>>)
    %barrier3A = arith.constant 0 : index
    tpu.barrier barrier_id(%barrier3A)
    %scan3A = arith.constant 0 : i32
    %scan3A_50 = arith.constant 20 : i32
    %scan3A_51 = arith.addi %scan3A, %scan3A_50 : i32
    %scan3A_52 = arith.constant 1 : i32
    scf.for %scan3A_80 = %scan3A to %scan3A_51 step %scan3A_52  : i32 {
      %mul3A_81 = arith.constant 2 : i32
      %mul3A_82 = arith.muli %scan3A_80, %mul3A_81 : i32
      %add3A_83 = arith.constant 0 : i32
      %add3A_84 = arith.addi %add3A_83, %mul3A_82 : i32
      %add3A_85 = arith.constant 0 : i32
      %add3A_86 = arith.addi %add3A_84, %add3A_85 : i32
      %dma_wait3A_87 = arith.constant 0 : i32
      %dma_wait3A_88 = tpu.memref_slice %arg6[%add3A_86, %dma_wait3A_87] : memref<40x125xi32, #tpu.memory_space<vmem>> -> memref<1x125xi32, #tpu.memory_space<vmem>>
      %dma_wait3A_89 = tpu.memref_squeeze %dma_wait3A_88 : memref<1x125xi32, #tpu.memory_space<vmem>> -> memref<125xi32, #tpu.memory_space<vmem>>
      %dma_wait3A_90 = arith.constant 0 : i32
      %dma_wait3A_91 = arith.constant 0 : i32
      %dma_wait3A_92 = tpu.memref_slice %arg2[%dma_wait3A_90, %dma_wait3A_91] : memref<10000x128xf32, #tpu.memory_space<hbm>> -> memref<10000x128xf32, #tpu.memory_space<hbm>>
      tpu.wait_indirect_dma semaphore(%arg11 : memref<!tpu.dma_semaphore, #tpu.memory_space<semaphore_mem>>) src(%dma_wait3A_92 : memref<10000x128xf32, #tpu.memory_space<hbm>>) dst(%arg8 : memref<125x128xf32, #tpu.memory_space<vmem>>)
      %add3A_93 = arith.constant 1 : i32
      %add3A_94 = arith.addi %add3A_86, %add3A_93 : i32
      %lt3A = arith.constant 40 : i32
      %lt3A_95 = arith.cmpi slt, %add3A_94, %lt3A : i32
      %convert_element_type3A = arith.extui %lt3A_95 : i1 to i32
      %cond3A = arith.constant 0 : i32
      %cond3A_96 = arith.cmpi ne, %convert_element_type3A, %cond3A : i32
      scf.if %cond3A_96 {
        %dma_start3A_112 = arith.constant 0 : i32
        %dma_start3A_113 = tpu.memref_slice %arg6[%add3A_94, %dma_start3A_112] : memref<40x125xi32, #tpu.memory_space<vmem>> -> memref<1x125xi32, #tpu.memory_space<vmem>>
        %dma_start3A_114 = tpu.memref_squeeze %dma_start3A_113 : memref<1x125xi32, #tpu.memory_space<vmem>> -> memref<125xi32, #tpu.memory_space<vmem>>
        %dma_start3A_115 = arith.constant 0 : i32
        %dma_start3A_116 = arith.constant 0 : i32
        %dma_start3A_117 = tpu.memref_slice %arg2[%dma_start3A_115, %dma_start3A_116] : memref<10000x128xf32, #tpu.memory_space<hbm>> -> memref<10000x128xf32, #tpu.memory_space<hbm>>
        tpu.enqueue_indirect_dma source(%dma_start3A_117 : memref<10000x128xf32, #tpu.memory_space<hbm>>) target(%arg9 : memref<125x128xf32, #tpu.memory_space<vmem>>) offsets(%dma_start3A_114 : memref<125xi32, #tpu.memory_space<vmem>>) semaphore(%arg12 : memref<!tpu.dma_semaphore, #tpu.memory_space<semaphore_mem>>)
      } else {
      }
      "tpu.region"() ({
        %run_scoped3A_112 = tpu.sem_alloc : memref<!tpu.dma_semaphore, #tpu.memory_space<semaphore_mem>>
        %dma_start3A_113 = arith.constant 0 : i32
        %dma_start3A_114 = tpu.memref_slice %arg7[%add3A_86, %dma_start3A_113] : memref<40x125xi32, #tpu.memory_space<vmem>> -> memref<1x125xi32, #tpu.memory_space<vmem>>
        %dma_start3A_115 = tpu.memref_squeeze %dma_start3A_114 : memref<1x125xi32, #tpu.memory_space<vmem>> -> memref<125xi32, #tpu.memory_space<vmem>>
        %dma_start3A_116 = arith.constant 0 : i32
        %dma_start3A_117 = arith.constant 0 : i32
        %dma_start3A_118 = tpu.memref_slice %arg10[%dma_start3A_116, %dma_start3A_117] : memref<10112x128xf32, #tpu.memory_space<vmem_shared>> -> memref<10112x128xf32, #tpu.memory_space<vmem_shared>>
        tpu.enqueue_indirect_dma source(%arg8 : memref<125x128xf32, #tpu.memory_space<vmem>>) target(%dma_start3A_118 : memref<10112x128xf32, #tpu.memory_space<vmem_shared>>) offsets(%dma_start3A_115 : memref<125xi32, #tpu.memory_space<vmem>>) semaphore(%run_scoped3A_112 : memref<!tpu.dma_semaphore, #tpu.memory_space<semaphore_mem>>) {add = true}
        %dma_wait3A_119 = arith.constant 0 : i32
        %dma_wait3A_120 = tpu.memref_slice %arg7[%add3A_86, %dma_wait3A_119] : memref<40x125xi32, #tpu.memory_space<vmem>> -> memref<1x125xi32, #tpu.memory_space<vmem>>
        %dma_wait3A_121 = tpu.memref_squeeze %dma_wait3A_120 : memref<1x125xi32, #tpu.memory_space<vmem>> -> memref<125xi32, #tpu.memory_space<vmem>>
        %dma_wait3A_122 = arith.constant 0 : i32
        %dma_wait3A_123 = arith.constant 0 : i32
        %dma_wait3A_124 = tpu.memref_slice %arg10[%dma_wait3A_122, %dma_wait3A_123] : memref<10112x128xf32, #tpu.memory_space<vmem_shared>> -> memref<10112x128xf32, #tpu.memory_space<vmem_shared>>
        tpu.wait_indirect_dma semaphore(%run_scoped3A_112 : memref<!tpu.dma_semaphore, #tpu.memory_space<semaphore_mem>>) src(%arg8 : memref<125x128xf32, #tpu.memory_space<vmem>>) dst(%dma_wait3A_124 : memref<10112x128xf32, #tpu.memory_space<vmem_shared>>)
        tpu.yield
      }) : () -> ()
      %add3A_97 = arith.constant 1 : i32
      %add3A_98 = arith.addi %add3A_84, %add3A_97 : i32
      %dma_wait3A_99 = arith.constant 0 : i32
      %dma_wait3A_100 = tpu.memref_slice %arg6[%add3A_98, %dma_wait3A_99] : memref<40x125xi32, #tpu.memory_space<vmem>> -> memref<1x125xi32, #tpu.memory_space<vmem>>
      %dma_wait3A_101 = tpu.memref_squeeze %dma_wait3A_100 : memref<1x125xi32, #tpu.memory_space<vmem>> -> memref<125xi32, #tpu.memory_space<vmem>>
      %dma_wait3A_102 = arith.constant 0 : i32
      %dma_wait3A_103 = arith.constant 0 : i32
      %dma_wait3A_104 = tpu.memref_slice %arg2[%dma_wait3A_102, %dma_wait3A_103] : memref<10000x128xf32, #tpu.memory_space<hbm>> -> memref<10000x128xf32, #tpu.memory_space<hbm>>
      tpu.wait_indirect_dma semaphore(%arg12 : memref<!tpu.dma_semaphore, #tpu.memory_space<semaphore_mem>>) src(%dma_wait3A_104 : memref<10000x128xf32, #tpu.memory_space<hbm>>) dst(%arg9 : memref<125x128xf32, #tpu.memory_space<vmem>>)
      %add3A_105 = arith.constant 1 : i32
      %add3A_106 = arith.addi %add3A_98, %add3A_105 : i32
      %lt3A_107 = arith.constant 40 : i32
      %lt3A_108 = arith.cmpi slt, %add3A_106, %lt3A_107 : i32
      %convert_element_type3A_109 = arith.extui %lt3A_108 : i1 to i32
      %cond3A_110 = arith.constant 0 : i32
      %cond3A_111 = arith.cmpi ne, %convert_element_type3A_109, %cond3A_110 : i32
      scf.if %cond3A_111 {
        %dma_start3A_112 = arith.constant 0 : i32
        %dma_start3A_113 = tpu.memref_slice %arg6[%add3A_106, %dma_start3A_112] : memref<40x125xi32, #tpu.memory_space<vmem>> -> memref<1x125xi32, #tpu.memory_space<vmem>>
        %dma_start3A_114 = tpu.memref_squeeze %dma_start3A_113 : memref<1x125xi32, #tpu.memory_space<vmem>> -> memref<125xi32, #tpu.memory_space<vmem>>
        %dma_start3A_115 = arith.constant 0 : i32
        %dma_start3A_116 = arith.constant 0 : i32
        %dma_start3A_117 = tpu.memref_slice %arg2[%dma_start3A_115, %dma_start3A_116] : memref<10000x128xf32, #tpu.memory_space<hbm>> -> memref<10000x128xf32, #tpu.memory_space<hbm>>
        tpu.enqueue_indirect_dma source(%dma_start3A_117 : memref<10000x128xf32, #tpu.memory_space<hbm>>) target(%arg8 : memref<125x128xf32, #tpu.memory_space<vmem>>) offsets(%dma_start3A_114 : memref<125xi32, #tpu.memory_space<vmem>>) semaphore(%arg11 : memref<!tpu.dma_semaphore, #tpu.memory_space<semaphore_mem>>)
      } else {
      }
      "tpu.region"() ({
        %run_scoped3A_112 = tpu.sem_alloc : memref<!tpu.dma_semaphore, #tpu.memory_space<semaphore_mem>>
        %dma_start3A_113 = arith.constant 0 : i32
        %dma_start3A_114 = tpu.memref_slice %arg7[%add3A_98, %dma_start3A_113] : memref<40x125xi32, #tpu.memory_space<vmem>> -> memref<1x125xi32, #tpu.memory_space<vmem>>
        %dma_start3A_115 = tpu.memref_squeeze %dma_start3A_114 : memref<1x125xi32, #tpu.memory_space<vmem>> -> memref<125xi32, #tpu.memory_space<vmem>>
        %dma_start3A_116 = arith.constant 0 : i32
        %dma_start3A_117 = arith.constant 0 : i32
        %dma_start3A_118 = tpu.memref_slice %arg10[%dma_start3A_116, %dma_start3A_117] : memref<10112x128xf32, #tpu.memory_space<vmem_shared>> -> memref<10112x128xf32, #tpu.memory_space<vmem_shared>>
        tpu.enqueue_indirect_dma source(%arg9 : memref<125x128xf32, #tpu.memory_space<vmem>>) target(%dma_start3A_118 : memref<10112x128xf32, #tpu.memory_space<vmem_shared>>) offsets(%dma_start3A_115 : memref<125xi32, #tpu.memory_space<vmem>>) semaphore(%run_scoped3A_112 : memref<!tpu.dma_semaphore, #tpu.memory_space<semaphore_mem>>) {add = true}
        %dma_wait3A_119 = arith.constant 0 : i32
        %dma_wait3A_120 = tpu.memref_slice %arg7[%add3A_98, %dma_wait3A_119] : memref<40x125xi32, #tpu.memory_space<vmem>> -> memref<1x125xi32, #tpu.memory_space<vmem>>
        %dma_wait3A_121 = tpu.memref_squeeze %dma_wait3A_120 : memref<1x125xi32, #tpu.memory_space<vmem>> -> memref<125xi32, #tpu.memory_space<vmem>>
        %dma_wait3A_122 = arith.constant 0 : i32
        %dma_wait3A_123 = arith.constant 0 : i32
        %dma_wait3A_124 = tpu.memref_slice %arg10[%dma_wait3A_122, %dma_wait3A_123] : memref<10112x128xf32, #tpu.memory_space<vmem_shared>> -> memref<10112x128xf32, #tpu.memory_space<vmem_shared>>
        tpu.wait_indirect_dma semaphore(%run_scoped3A_112 : memref<!tpu.dma_semaphore, #tpu.memory_space<semaphore_mem>>) src(%arg9 : memref<125x128xf32, #tpu.memory_space<vmem>>) dst(%dma_wait3A_124 : memref<10112x128xf32, #tpu.memory_space<vmem_shared>>)
        tpu.yield
      }) : () -> ()
    }
    %scan3A_53 = arith.constant 20 : i32
    %mul3A_54 = arith.constant 80 : i32
    %mul3A_55 = arith.muli %add3A, %mul3A_54 : i32
    %add3A_56 = arith.constant 40 : i32
    %add3A_57 = arith.addi %mul3A_55, %add3A_56 : i32
    %run_scoped3A = arith.constant 0 : i32
    "tpu.region"() ({
      %run_scoped3A_80 = tpu.sem_alloc : memref<!tpu.dma_semaphore, #tpu.memory_space<semaphore_mem>>
      %dma_start3A_81 = arith.constant 0 : i32
      %dma_start3A_82 = tpu.memref_slice %arg3[%run_scoped3A, %add3A_57, %dma_start3A_81] : memref<2x2560x125xi32, #tpu.memory_space<hbm>> -> memref<1x40x125xi32, #tpu.memory_space<hbm>>
      %dma_start3A_83 = tpu.memref_squeeze %dma_start3A_82 : memref<1x40x125xi32, #tpu.memory_space<hbm>> -> memref<40x125xi32, #tpu.memory_space<hbm>>
      %dma_start3A_84 = arith.constant 0 : i32
      %dma_start3A_85 = tpu.memref_slice %arg3[%run_scoped3A, %add3A_57, %dma_start3A_84] : memref<2x2560x125xi32, #tpu.memory_space<hbm>> -> memref<1x40x125xi32, #tpu.memory_space<hbm>>
      %dma_start3A_86 = tpu.memref_squeeze %dma_start3A_85 : memref<1x40x125xi32, #tpu.memory_space<hbm>> -> memref<40x125xi32, #tpu.memory_space<hbm>>
      tpu.enqueue_dma source(%dma_start3A_86 : memref<40x125xi32, #tpu.memory_space<hbm>>) target(%arg6 : memref<40x125xi32, #tpu.memory_space<vmem>>) target_semaphore(%run_scoped3A_80 : memref<!tpu.dma_semaphore, #tpu.memory_space<semaphore_mem>>)
      %dma_wait3A_87 = arith.constant 0 : i32
      %dma_wait3A_88 = tpu.memref_slice %arg3[%run_scoped3A, %add3A_57, %dma_wait3A_87] : memref<2x2560x125xi32, #tpu.memory_space<hbm>> -> memref<1x40x125xi32, #tpu.memory_space<hbm>>
      %dma_wait3A_89 = tpu.memref_squeeze %dma_wait3A_88 : memref<1x40x125xi32, #tpu.memory_space<hbm>> -> memref<40x125xi32, #tpu.memory_space<hbm>>
      %dma_wait3A_90 = arith.constant 0 : i32
      %dma_wait3A_91 = tpu.memref_slice %arg3[%run_scoped3A, %add3A_57, %dma_wait3A_90] : memref<2x2560x125xi32, #tpu.memory_space<hbm>> -> memref<1x40x125xi32, #tpu.memory_space<hbm>>
      %dma_wait3A_92 = tpu.memref_squeeze %dma_wait3A_91 : memref<1x40x125xi32, #tpu.memory_space<hbm>> -> memref<40x125xi32, #tpu.memory_space<hbm>>
      tpu.wait_dma2 semaphore(%run_scoped3A_80 : memref<!tpu.dma_semaphore, #tpu.memory_space<semaphore_mem>>) src(%dma_wait3A_92 : memref<40x125xi32, #tpu.memory_space<hbm>>) dst(%arg6 : memref<40x125xi32, #tpu.memory_space<vmem>>)
      tpu.yield
    }) : () -> ()
    %mul3A_58 = arith.constant 80 : i32
    %mul3A_59 = arith.muli %add3A, %mul3A_58 : i32
    %add3A_60 = arith.constant 40 : i32
    %add3A_61 = arith.addi %mul3A_59, %add3A_60 : i32
    %run_scoped3A_62 = arith.constant 1 : i32
    "tpu.region"() ({
      %run_scoped3A_80 = tpu.sem_alloc : memref<!tpu.dma_semaphore, #tpu.memory_space<semaphore_mem>>
      %dma_start3A_81 = arith.constant 0 : i32
      %dma_start3A_82 = tpu.memref_slice %arg3[%run_scoped3A_62, %add3A_61, %dma_start3A_81] : memref<2x2560x125xi32, #tpu.memory_space<hbm>> -> memref<1x40x125xi32, #tpu.memory_space<hbm>>
      %dma_start3A_83 = tpu.memref_squeeze %dma_start3A_82 : memref<1x40x125xi32, #tpu.memory_space<hbm>> -> memref<40x125xi32, #tpu.memory_space<hbm>>
      %dma_start3A_84 = arith.constant 0 : i32
      %dma_start3A_85 = tpu.memref_slice %arg3[%run_scoped3A_62, %add3A_61, %dma_start3A_84] : memref<2x2560x125xi32, #tpu.memory_space<hbm>> -> memref<1x40x125xi32, #tpu.memory_space<hbm>>
      %dma_start3A_86 = tpu.memref_squeeze %dma_start3A_85 : memref<1x40x125xi32, #tpu.memory_space<hbm>> -> memref<40x125xi32, #tpu.memory_space<hbm>>
      tpu.enqueue_dma source(%dma_start3A_86 : memref<40x125xi32, #tpu.memory_space<hbm>>) target(%arg7 : memref<40x125xi32, #tpu.memory_space<vmem>>) target_semaphore(%run_scoped3A_80 : memref<!tpu.dma_semaphore, #tpu.memory_space<semaphore_mem>>)
      %dma_wait3A_87 = arith.constant 0 : i32
      %dma_wait3A_88 = tpu.memref_slice %arg3[%run_scoped3A_62, %add3A_61, %dma_wait3A_87] : memref<2x2560x125xi32, #tpu.memory_space<hbm>> -> memref<1x40x125xi32, #tpu.memory_space<hbm>>
      %dma_wait3A_89 = tpu.memref_squeeze %dma_wait3A_88 : memref<1x40x125xi32, #tpu.memory_space<hbm>> -> memref<40x125xi32, #tpu.memory_space<hbm>>
      %dma_wait3A_90 = arith.constant 0 : i32
      %dma_wait3A_91 = tpu.memref_slice %arg3[%run_scoped3A_62, %add3A_61, %dma_wait3A_90] : memref<2x2560x125xi32, #tpu.memory_space<hbm>> -> memref<1x40x125xi32, #tpu.memory_space<hbm>>
      %dma_wait3A_92 = tpu.memref_squeeze %dma_wait3A_91 : memref<1x40x125xi32, #tpu.memory_space<hbm>> -> memref<40x125xi32, #tpu.memory_space<hbm>>
      tpu.wait_dma2 semaphore(%run_scoped3A_80 : memref<!tpu.dma_semaphore, #tpu.memory_space<semaphore_mem>>) src(%dma_wait3A_92 : memref<40x125xi32, #tpu.memory_space<hbm>>) dst(%arg7 : memref<40x125xi32, #tpu.memory_space<vmem>>)
      tpu.yield
    }) : () -> ()
    %dma_start3A_63 = arith.constant 0 : i32
    %dma_start3A_64 = arith.constant 0 : i32
    %dma_start3A_65 = tpu.memref_slice %arg6[%dma_start3A_63, %dma_start3A_64] : memref<40x125xi32, #tpu.memory_space<vmem>> -> memref<1x125xi32, #tpu.memory_space<vmem>>
    %dma_start3A_66 = tpu.memref_squeeze %dma_start3A_65 : memref<1x125xi32, #tpu.memory_space<vmem>> -> memref<125xi32, #tpu.memory_space<vmem>>
    %dma_start3A_67 = arith.constant 0 : i32
    %dma_start3A_68 = arith.constant 0 : i32
    %dma_start3A_69 = tpu.memref_slice %arg2[%dma_start3A_67, %dma_start3A_68] : memref<10000x128xf32, #tpu.memory_space<hbm>> -> memref<10000x128xf32, #tpu.memory_space<hbm>>
    tpu.enqueue_indirect_dma source(%dma_start3A_69 : memref<10000x128xf32, #tpu.memory_space<hbm>>) target(%arg8 : memref<125x128xf32, #tpu.memory_space<vmem>>) offsets(%dma_start3A_66 : memref<125xi32, #tpu.memory_space<vmem>>) semaphore(%arg11 : memref<!tpu.dma_semaphore, #tpu.memory_space<semaphore_mem>>)
    %scan3A_70 = arith.constant 0 : i32
    %scan3A_71 = arith.constant 20 : i32
    %scan3A_72 = arith.addi %scan3A_70, %scan3A_71 : i32
    %scan3A_73 = arith.constant 1 : i32
    scf.for %scan3A_80 = %scan3A_70 to %scan3A_72 step %scan3A_73  : i32 {
      %mul3A_81 = arith.constant 2 : i32
      %mul3A_82 = arith.muli %scan3A_80, %mul3A_81 : i32
      %add3A_83 = arith.constant 0 : i32
      %add3A_84 = arith.addi %add3A_83, %mul3A_82 : i32
      %add3A_85 = arith.constant 0 : i32
      %add3A_86 = arith.addi %add3A_84, %add3A_85 : i32
      %dma_wait3A_87 = arith.constant 0 : i32
      %dma_wait3A_88 = tpu.memref_slice %arg6[%add3A_86, %dma_wait3A_87] : memref<40x125xi32, #tpu.memory_space<vmem>> -> memref<1x125xi32, #tpu.memory_space<vmem>>
      %dma_wait3A_89 = tpu.memref_squeeze %dma_wait3A_88 : memref<1x125xi32, #tpu.memory_space<vmem>> -> memref<125xi32, #tpu.memory_space<vmem>>
      %dma_wait3A_90 = arith.constant 0 : i32
      %dma_wait3A_91 = arith.constant 0 : i32
      %dma_wait3A_92 = tpu.memref_slice %arg2[%dma_wait3A_90, %dma_wait3A_91] : memref<10000x128xf32, #tpu.memory_space<hbm>> -> memref<10000x128xf32, #tpu.memory_space<hbm>>
      tpu.wait_indirect_dma semaphore(%arg11 : memref<!tpu.dma_semaphore, #tpu.memory_space<semaphore_mem>>) src(%dma_wait3A_92 : memref<10000x128xf32, #tpu.memory_space<hbm>>) dst(%arg8 : memref<125x128xf32, #tpu.memory_space<vmem>>)
      %add3A_93 = arith.constant 1 : i32
      %add3A_94 = arith.addi %add3A_86, %add3A_93 : i32
      %lt3A = arith.constant 40 : i32
      %lt3A_95 = arith.cmpi slt, %add3A_94, %lt3A : i32
      %convert_element_type3A = arith.extui %lt3A_95 : i1 to i32
      %cond3A = arith.constant 0 : i32
      %cond3A_96 = arith.cmpi ne, %convert_element_type3A, %cond3A : i32
      scf.if %cond3A_96 {
        %dma_start3A_112 = arith.constant 0 : i32
        %dma_start3A_113 = tpu.memref_slice %arg6[%add3A_94, %dma_start3A_112] : memref<40x125xi32, #tpu.memory_space<vmem>> -> memref<1x125xi32, #tpu.memory_space<vmem>>
        %dma_start3A_114 = tpu.memref_squeeze %dma_start3A_113 : memref<1x125xi32, #tpu.memory_space<vmem>> -> memref<125xi32, #tpu.memory_space<vmem>>
        %dma_start3A_115 = arith.constant 0 : i32
        %dma_start3A_116 = arith.constant 0 : i32
        %dma_start3A_117 = tpu.memref_slice %arg2[%dma_start3A_115, %dma_start3A_116] : memref<10000x128xf32, #tpu.memory_space<hbm>> -> memref<10000x128xf32, #tpu.memory_space<hbm>>
        tpu.enqueue_indirect_dma source(%dma_start3A_117 : memref<10000x128xf32, #tpu.memory_space<hbm>>) target(%arg9 : memref<125x128xf32, #tpu.memory_space<vmem>>) offsets(%dma_start3A_114 : memref<125xi32, #tpu.memory_space<vmem>>) semaphore(%arg12 : memref<!tpu.dma_semaphore, #tpu.memory_space<semaphore_mem>>)
      } else {
      }
      "tpu.region"() ({
        %run_scoped3A_112 = tpu.sem_alloc : memref<!tpu.dma_semaphore, #tpu.memory_space<semaphore_mem>>
        %dma_start3A_113 = arith.constant 0 : i32
        %dma_start3A_114 = tpu.memref_slice %arg7[%add3A_86, %dma_start3A_113] : memref<40x125xi32, #tpu.memory_space<vmem>> -> memref<1x125xi32, #tpu.memory_space<vmem>>
        %dma_start3A_115 = tpu.memref_squeeze %dma_start3A_114 : memref<1x125xi32, #tpu.memory_space<vmem>> -> memref<125xi32, #tpu.memory_space<vmem>>
        %dma_start3A_116 = arith.constant 0 : i32
        %dma_start3A_117 = arith.constant 0 : i32
        %dma_start3A_118 = tpu.memref_slice %arg10[%dma_start3A_116, %dma_start3A_117] : memref<10112x128xf32, #tpu.memory_space<vmem_shared>> -> memref<10112x128xf32, #tpu.memory_space<vmem_shared>>
        tpu.enqueue_indirect_dma source(%arg8 : memref<125x128xf32, #tpu.memory_space<vmem>>) target(%dma_start3A_118 : memref<10112x128xf32, #tpu.memory_space<vmem_shared>>) offsets(%dma_start3A_115 : memref<125xi32, #tpu.memory_space<vmem>>) semaphore(%run_scoped3A_112 : memref<!tpu.dma_semaphore, #tpu.memory_space<semaphore_mem>>) {add = true}
        %dma_wait3A_119 = arith.constant 0 : i32
        %dma_wait3A_120 = tpu.memref_slice %arg7[%add3A_86, %dma_wait3A_119] : memref<40x125xi32, #tpu.memory_space<vmem>> -> memref<1x125xi32, #tpu.memory_space<vmem>>
        %dma_wait3A_121 = tpu.memref_squeeze %dma_wait3A_120 : memref<1x125xi32, #tpu.memory_space<vmem>> -> memref<125xi32, #tpu.memory_space<vmem>>
        %dma_wait3A_122 = arith.constant 0 : i32
        %dma_wait3A_123 = arith.constant 0 : i32
        %dma_wait3A_124 = tpu.memref_slice %arg10[%dma_wait3A_122, %dma_wait3A_123] : memref<10112x128xf32, #tpu.memory_space<vmem_shared>> -> memref<10112x128xf32, #tpu.memory_space<vmem_shared>>
        tpu.wait_indirect_dma semaphore(%run_scoped3A_112 : memref<!tpu.dma_semaphore, #tpu.memory_space<semaphore_mem>>) src(%arg8 : memref<125x128xf32, #tpu.memory_space<vmem>>) dst(%dma_wait3A_124 : memref<10112x128xf32, #tpu.memory_space<vmem_shared>>)
        tpu.yield
      }) : () -> ()
      %add3A_97 = arith.constant 1 : i32
      %add3A_98 = arith.addi %add3A_84, %add3A_97 : i32
      %dma_wait3A_99 = arith.constant 0 : i32
      %dma_wait3A_100 = tpu.memref_slice %arg6[%add3A_98, %dma_wait3A_99] : memref<40x125xi32, #tpu.memory_space<vmem>> -> memref<1x125xi32, #tpu.memory_space<vmem>>
      %dma_wait3A_101 = tpu.memref_squeeze %dma_wait3A_100 : memref<1x125xi32, #tpu.memory_space<vmem>> -> memref<125xi32, #tpu.memory_space<vmem>>
      %dma_wait3A_102 = arith.constant 0 : i32
      %dma_wait3A_103 = arith.constant 0 : i32
      %dma_wait3A_104 = tpu.memref_slice %arg2[%dma_wait3A_102, %dma_wait3A_103] : memref<10000x128xf32, #tpu.memory_space<hbm>> -> memref<10000x128xf32, #tpu.memory_space<hbm>>
      tpu.wait_indirect_dma semaphore(%arg12 : memref<!tpu.dma_semaphore, #tpu.memory_space<semaphore_mem>>) src(%dma_wait3A_104 : memref<10000x128xf32, #tpu.memory_space<hbm>>) dst(%arg9 : memref<125x128xf32, #tpu.memory_space<vmem>>)
      %add3A_105 = arith.constant 1 : i32
      %add3A_106 = arith.addi %add3A_98, %add3A_105 : i32
      %lt3A_107 = arith.constant 40 : i32
      %lt3A_108 = arith.cmpi slt, %add3A_106, %lt3A_107 : i32
      %convert_element_type3A_109 = arith.extui %lt3A_108 : i1 to i32
      %cond3A_110 = arith.constant 0 : i32
      %cond3A_111 = arith.cmpi ne, %convert_element_type3A_109, %cond3A_110 : i32
      scf.if %cond3A_111 {
        %dma_start3A_112 = arith.constant 0 : i32
        %dma_start3A_113 = tpu.memref_slice %arg6[%add3A_106, %dma_start3A_112] : memref<40x125xi32, #tpu.memory_space<vmem>> -> memref<1x125xi32, #tpu.memory_space<vmem>>
        %dma_start3A_114 = tpu.memref_squeeze %dma_start3A_113 : memref<1x125xi32, #tpu.memory_space<vmem>> -> memref<125xi32, #tpu.memory_space<vmem>>
        %dma_start3A_115 = arith.constant 0 : i32
        %dma_start3A_116 = arith.constant 0 : i32
        %dma_start3A_117 = tpu.memref_slice %arg2[%dma_start3A_115, %dma_start3A_116] : memref<10000x128xf32, #tpu.memory_space<hbm>> -> memref<10000x128xf32, #tpu.memory_space<hbm>>
        tpu.enqueue_indirect_dma source(%dma_start3A_117 : memref<10000x128xf32, #tpu.memory_space<hbm>>) target(%arg8 : memref<125x128xf32, #tpu.memory_space<vmem>>) offsets(%dma_start3A_114 : memref<125xi32, #tpu.memory_space<vmem>>) semaphore(%arg11 : memref<!tpu.dma_semaphore, #tpu.memory_space<semaphore_mem>>)
      } else {
      }
      "tpu.region"() ({
        %run_scoped3A_112 = tpu.sem_alloc : memref<!tpu.dma_semaphore, #tpu.memory_space<semaphore_mem>>
        %dma_start3A_113 = arith.constant 0 : i32
        %dma_start3A_114 = tpu.memref_slice %arg7[%add3A_98, %dma_start3A_113] : memref<40x125xi32, #tpu.memory_space<vmem>> -> memref<1x125xi32, #tpu.memory_space<vmem>>
        %dma_start3A_115 = tpu.memref_squeeze %dma_start3A_114 : memref<1x125xi32, #tpu.memory_space<vmem>> -> memref<125xi32, #tpu.memory_space<vmem>>
        %dma_start3A_116 = arith.constant 0 : i32
        %dma_start3A_117 = arith.constant 0 : i32
        %dma_start3A_118 = tpu.memref_slice %arg10[%dma_start3A_116, %dma_start3A_117] : memref<10112x128xf32, #tpu.memory_space<vmem_shared>> -> memref<10112x128xf32, #tpu.memory_space<vmem_shared>>
        tpu.enqueue_indirect_dma source(%arg9 : memref<125x128xf32, #tpu.memory_space<vmem>>) target(%dma_start3A_118 : memref<10112x128xf32, #tpu.memory_space<vmem_shared>>) offsets(%dma_start3A_115 : memref<125xi32, #tpu.memory_space<vmem>>) semaphore(%run_scoped3A_112 : memref<!tpu.dma_semaphore, #tpu.memory_space<semaphore_mem>>) {add = true}
        %dma_wait3A_119 = arith.constant 0 : i32
        %dma_wait3A_120 = tpu.memref_slice %arg7[%add3A_98, %dma_wait3A_119] : memref<40x125xi32, #tpu.memory_space<vmem>> -> memref<1x125xi32, #tpu.memory_space<vmem>>
        %dma_wait3A_121 = tpu.memref_squeeze %dma_wait3A_120 : memref<1x125xi32, #tpu.memory_space<vmem>> -> memref<125xi32, #tpu.memory_space<vmem>>
        %dma_wait3A_122 = arith.constant 0 : i32
        %dma_wait3A_123 = arith.constant 0 : i32
        %dma_wait3A_124 = tpu.memref_slice %arg10[%dma_wait3A_122, %dma_wait3A_123] : memref<10112x128xf32, #tpu.memory_space<vmem_shared>> -> memref<10112x128xf32, #tpu.memory_space<vmem_shared>>
        tpu.wait_indirect_dma semaphore(%run_scoped3A_112 : memref<!tpu.dma_semaphore, #tpu.memory_space<semaphore_mem>>) src(%arg9 : memref<125x128xf32, #tpu.memory_space<vmem>>) dst(%dma_wait3A_124 : memref<10112x128xf32, #tpu.memory_space<vmem_shared>>)
        tpu.yield
      }) : () -> ()
    }
    %scan3A_74 = arith.constant 20 : i32
    %barrier3A_75 = arith.constant 0 : index
    tpu.barrier barrier_id(%barrier3A_75)
    %mul3A_76 = arith.constant 632 : i32
    %mul3A_77 = arith.muli %arg1, %mul3A_76 : i32
    %mul3A_78 = arith.constant 632 : i32
    %mul3A_79 = arith.muli %arg1, %mul3A_78 : i32
    "tpu.region"() ({
      %run_scoped3A_80 = tpu.sem_alloc : memref<!tpu.dma_semaphore, #tpu.memory_space<semaphore_mem>>
      %dma_start3A_81 = arith.constant 0 : i32
      %dma_start3A_82 = tpu.memref_slice %arg5[%arg0, %mul3A_79, %dma_start3A_81] : memref<2x10112x128xf32, #tpu.memory_space<hbm>> -> memref<1x632x128xf32, #tpu.memory_space<hbm>>
      %dma_start3A_83 = tpu.memref_squeeze %dma_start3A_82 : memref<1x632x128xf32, #tpu.memory_space<hbm>> -> memref<632x128xf32, #tpu.memory_space<hbm>>
      %dma_start3A_84 = arith.constant 0 : i32
      %dma_start3A_85 = tpu.memref_slice %arg10[%mul3A_77, %dma_start3A_84] : memref<10112x128xf32, #tpu.memory_space<vmem_shared>> -> memref<632x128xf32, #tpu.memory_space<vmem_shared>>
      tpu.enqueue_dma source(%dma_start3A_85 : memref<632x128xf32, #tpu.memory_space<vmem_shared>>) target(%dma_start3A_83 : memref<632x128xf32, #tpu.memory_space<hbm>>) target_semaphore(%run_scoped3A_80 : memref<!tpu.dma_semaphore, #tpu.memory_space<semaphore_mem>>)
      %dma_wait3A_86 = arith.constant 0 : i32
      %dma_wait3A_87 = tpu.memref_slice %arg5[%arg0, %mul3A_79, %dma_wait3A_86] : memref<2x10112x128xf32, #tpu.memory_space<hbm>> -> memref<1x632x128xf32, #tpu.memory_space<hbm>>
      %dma_wait3A_88 = tpu.memref_squeeze %dma_wait3A_87 : memref<1x632x128xf32, #tpu.memory_space<hbm>> -> memref<632x128xf32, #tpu.memory_space<hbm>>
      %dma_wait3A_89 = arith.constant 0 : i32
      %dma_wait3A_90 = tpu.memref_slice %arg10[%mul3A_77, %dma_wait3A_89] : memref<10112x128xf32, #tpu.memory_space<vmem_shared>> -> memref<632x128xf32, #tpu.memory_space<vmem_shared>>
      tpu.wait_dma2 semaphore(%run_scoped3A_80 : memref<!tpu.dma_semaphore, #tpu.memory_space<semaphore_mem>>) src(%dma_wait3A_90 : memref<632x128xf32, #tpu.memory_space<vmem_shared>>) dst(%dma_wait3A_88 : memref<632x128xf32, #tpu.memory_space<hbm>>)
      tpu.yield
    }) : () -> ()
    return
  }
}

#map = affine_map<(d0, d1) -> (0, 0)>
#map1 = affine_map<(d0, d1) -> (0, 0, 0)>
module attributes {stable_mosaic.version = 14 : i64} {
  func.func @_sc_agg_body(%arg0: i32, %arg1: i32, %arg2: memref<10000x128xf32, #tpu.memory_space<hbm>>, %arg3: memref<2x2560x125xi32, #tpu.memory_space<hbm>>, %arg4: memref<10112x128xf32, #tpu.memory_space<hbm>>, %arg5: memref<2x10112x128xf32, #tpu.memory_space<hbm>>, %arg6: memref<40x125xi32, #tpu.memory_space<vmem>>, %arg7: memref<40x125xi32, #tpu.memory_space<vmem>>, %arg8: memref<125x128xf32, #tpu.memory_space<vmem>>, %arg9: memref<125x128xf32, #tpu.memory_space<vmem>>, %arg10: memref<10112x128xf32, #tpu.memory_space<vmem_shared>>, %arg11: memref<!tpu.dma_semaphore, #tpu.memory_space<semaphore_mem>>, %arg12: memref<!tpu.dma_semaphore, #tpu.memory_space<semaphore_mem>>, %arg13: memref<!tpu.dma_semaphore, #tpu.memory_space<semaphore_mem>>, %arg14: memref<!tpu.dma_semaphore, #tpu.memory_space<semaphore_mem>>) attributes {dimension_semantics = [#tpu.dimension_semantics<core_parallel>, #tpu.dimension_semantics<subcore_parallel>], iteration_bounds = array<i64: 2, 16>, scalar_prefetch = 0 : i64, scratch_operands = 9 : i64, tpu.core_type = #tpu.core_type<sc_vector_subcore>, window_params = [{transform_indices = #map}, {transform_indices = #map1}, {transform_indices = #map}, {transform_indices = #map1}]} {
    %mul3A = arith.constant 16 : i32
    %mul3A_0 = arith.muli %arg0, %mul3A : i32
    %add3A = arith.addi %mul3A_0, %arg1 : i32
    %mul3A_1 = arith.constant 632 : i32
    %mul3A_2 = arith.muli %arg1, %mul3A_1 : i32
    %mul3A_3 = arith.constant 632 : i32
    %mul3A_4 = arith.muli %arg1, %mul3A_3 : i32
    %dma_start3A = arith.constant 0 : i32
    %dma_start3A_5 = tpu.memref_slice %arg10[%mul3A_4, %dma_start3A] : memref<10112x128xf32, #tpu.memory_space<vmem_shared>> -> memref<632x128xf32, #tpu.memory_space<vmem_shared>>
    %dma_start3A_6 = arith.constant 0 : i32
    %dma_start3A_7 = tpu.memref_slice %arg4[%mul3A_2, %dma_start3A_6] : memref<10112x128xf32, #tpu.memory_space<hbm>> -> memref<632x128xf32, #tpu.memory_space<hbm>>
    tpu.enqueue_dma source(%dma_start3A_7 : memref<632x128xf32, #tpu.memory_space<hbm>>) target(%dma_start3A_5 : memref<632x128xf32, #tpu.memory_space<vmem_shared>>) target_semaphore(%arg13 : memref<!tpu.dma_semaphore, #tpu.memory_space<semaphore_mem>>)
    %mul3A_8 = arith.constant 80 : i32
    %mul3A_9 = arith.muli %add3A, %mul3A_8 : i32
    %dma_start3A_10 = arith.constant 0 : i32
    %dma_start3A_11 = arith.constant 0 : i32
    %dma_start3A_12 = tpu.memref_slice %arg3[%dma_start3A_10, %mul3A_9, %dma_start3A_11] : memref<2x2560x125xi32, #tpu.memory_space<hbm>> -> memref<1x40x125xi32, #tpu.memory_space<hbm>>
    %dma_start3A_13 = tpu.memref_squeeze %dma_start3A_12 : memref<1x40x125xi32, #tpu.memory_space<hbm>> -> memref<40x125xi32, #tpu.memory_space<hbm>>
    %dma_start3A_14 = arith.constant 0 : i32
    %dma_start3A_15 = tpu.memref_slice %arg3[%dma_start3A_10, %mul3A_9, %dma_start3A_14] : memref<2x2560x125xi32, #tpu.memory_space<hbm>> -> memref<1x40x125xi32, #tpu.memory_space<hbm>>
    %dma_start3A_16 = tpu.memref_squeeze %dma_start3A_15 : memref<1x40x125xi32, #tpu.memory_space<hbm>> -> memref<40x125xi32, #tpu.memory_space<hbm>>
    tpu.enqueue_dma source(%dma_start3A_16 : memref<40x125xi32, #tpu.memory_space<hbm>>) target(%arg6 : memref<40x125xi32, #tpu.memory_space<vmem>>) target_semaphore(%arg14 : memref<!tpu.dma_semaphore, #tpu.memory_space<semaphore_mem>>)
    %mul3A_17 = arith.constant 80 : i32
    %mul3A_18 = arith.muli %add3A, %mul3A_17 : i32
    %dma_start3A_19 = arith.constant 1 : i32
    %dma_start3A_20 = arith.constant 0 : i32
    %dma_start3A_21 = tpu.memref_slice %arg3[%dma_start3A_19, %mul3A_18, %dma_start3A_20] : memref<2x2560x125xi32, #tpu.memory_space<hbm>> -> memref<1x40x125xi32, #tpu.memory_space<hbm>>
    %dma_start3A_22 = tpu.memref_squeeze %dma_start3A_21 : memref<1x40x125xi32, #tpu.memory_space<hbm>> -> memref<40x125xi32, #tpu.memory_space<hbm>>
    %dma_start3A_23 = arith.constant 0 : i32
    %dma_start3A_24 = tpu.memref_slice %arg3[%dma_start3A_19, %mul3A_18, %dma_start3A_23] : memref<2x2560x125xi32, #tpu.memory_space<hbm>> -> memref<1x40x125xi32, #tpu.memory_space<hbm>>
    %dma_start3A_25 = tpu.memref_squeeze %dma_start3A_24 : memref<1x40x125xi32, #tpu.memory_space<hbm>> -> memref<40x125xi32, #tpu.memory_space<hbm>>
    tpu.enqueue_dma source(%dma_start3A_25 : memref<40x125xi32, #tpu.memory_space<hbm>>) target(%arg7 : memref<40x125xi32, #tpu.memory_space<vmem>>) target_semaphore(%arg12 : memref<!tpu.dma_semaphore, #tpu.memory_space<semaphore_mem>>)
    %dma_wait3A = arith.constant 0 : i32
    %dma_wait3A_26 = arith.constant 0 : i32
    %dma_wait3A_27 = tpu.memref_slice %arg3[%dma_wait3A, %mul3A_9, %dma_wait3A_26] : memref<2x2560x125xi32, #tpu.memory_space<hbm>> -> memref<1x40x125xi32, #tpu.memory_space<hbm>>
    %dma_wait3A_28 = tpu.memref_squeeze %dma_wait3A_27 : memref<1x40x125xi32, #tpu.memory_space<hbm>> -> memref<40x125xi32, #tpu.memory_space<hbm>>
    %dma_wait3A_29 = arith.constant 0 : i32
    %dma_wait3A_30 = tpu.memref_slice %arg3[%dma_wait3A, %mul3A_9, %dma_wait3A_29] : memref<2x2560x125xi32, #tpu.memory_space<hbm>> -> memref<1x40x125xi32, #tpu.memory_space<hbm>>
    %dma_wait3A_31 = tpu.memref_squeeze %dma_wait3A_30 : memref<1x40x125xi32, #tpu.memory_space<hbm>> -> memref<40x125xi32, #tpu.memory_space<hbm>>
    tpu.wait_dma2 semaphore(%arg14 : memref<!tpu.dma_semaphore, #tpu.memory_space<semaphore_mem>>) src(%dma_wait3A_31 : memref<40x125xi32, #tpu.memory_space<hbm>>) dst(%arg6 : memref<40x125xi32, #tpu.memory_space<vmem>>)
    %dma_wait3A_32 = arith.constant 1 : i32
    %dma_wait3A_33 = arith.constant 0 : i32
    %dma_wait3A_34 = tpu.memref_slice %arg3[%dma_wait3A_32, %mul3A_18, %dma_wait3A_33] : memref<2x2560x125xi32, #tpu.memory_space<hbm>> -> memref<1x40x125xi32, #tpu.memory_space<hbm>>
    %dma_wait3A_35 = tpu.memref_squeeze %dma_wait3A_34 : memref<1x40x125xi32, #tpu.memory_space<hbm>> -> memref<40x125xi32, #tpu.memory_space<hbm>>
    %dma_wait3A_36 = arith.constant 0 : i32
    %dma_wait3A_37 = tpu.memref_slice %arg3[%dma_wait3A_32, %mul3A_18, %dma_wait3A_36] : memref<2x2560x125xi32, #tpu.memory_space<hbm>> -> memref<1x40x125xi32, #tpu.memory_space<hbm>>
    %dma_wait3A_38 = tpu.memref_squeeze %dma_wait3A_37 : memref<1x40x125xi32, #tpu.memory_space<hbm>> -> memref<40x125xi32, #tpu.memory_space<hbm>>
    tpu.wait_dma2 semaphore(%arg12 : memref<!tpu.dma_semaphore, #tpu.memory_space<semaphore_mem>>) src(%dma_wait3A_38 : memref<40x125xi32, #tpu.memory_space<hbm>>) dst(%arg7 : memref<40x125xi32, #tpu.memory_space<vmem>>)
    %dma_start3A_39 = arith.constant 0 : i32
    %dma_start3A_40 = arith.constant 0 : i32
    %dma_start3A_41 = tpu.memref_slice %arg6[%dma_start3A_39, %dma_start3A_40] : memref<40x125xi32, #tpu.memory_space<vmem>> -> memref<1x125xi32, #tpu.memory_space<vmem>>
    %dma_start3A_42 = tpu.memref_squeeze %dma_start3A_41 : memref<1x125xi32, #tpu.memory_space<vmem>> -> memref<125xi32, #tpu.memory_space<vmem>>
    %dma_start3A_43 = arith.constant 0 : i32
    %dma_start3A_44 = arith.constant 0 : i32
    %dma_start3A_45 = tpu.memref_slice %arg2[%dma_start3A_43, %dma_start3A_44] : memref<10000x128xf32, #tpu.memory_space<hbm>> -> memref<10000x128xf32, #tpu.memory_space<hbm>>
    tpu.enqueue_indirect_dma source(%dma_start3A_45 : memref<10000x128xf32, #tpu.memory_space<hbm>>) target(%arg8 : memref<125x128xf32, #tpu.memory_space<vmem>>) offsets(%dma_start3A_42 : memref<125xi32, #tpu.memory_space<vmem>>) semaphore(%arg11 : memref<!tpu.dma_semaphore, #tpu.memory_space<semaphore_mem>>)
    %dma_wait3A_46 = arith.constant 0 : i32
    %dma_wait3A_47 = tpu.memref_slice %arg10[%mul3A_4, %dma_wait3A_46] : memref<10112x128xf32, #tpu.memory_space<vmem_shared>> -> memref<632x128xf32, #tpu.memory_space<vmem_shared>>
    %dma_wait3A_48 = arith.constant 0 : i32
    %dma_wait3A_49 = tpu.memref_slice %arg4[%mul3A_2, %dma_wait3A_48] : memref<10112x128xf32, #tpu.memory_space<hbm>> -> memref<632x128xf32, #tpu.memory_space<hbm>>
    tpu.wait_dma2 semaphore(%arg13 : memref<!tpu.dma_semaphore, #tpu.memory_space<semaphore_mem>>) src(%dma_wait3A_49 : memref<632x128xf32, #tpu.memory_space<hbm>>) dst(%dma_wait3A_47 : memref<632x128xf32, #tpu.memory_space<vmem_shared>>)
    %barrier3A = arith.constant 0 : index
    tpu.barrier barrier_id(%barrier3A)
    %scan3A = arith.constant 0 : i32
    %scan3A_50 = arith.constant 20 : i32
    %scan3A_51 = arith.addi %scan3A, %scan3A_50 : i32
    %scan3A_52 = arith.constant 1 : i32
    scf.for %scan3A_80 = %scan3A to %scan3A_51 step %scan3A_52  : i32 {
      %mul3A_81 = arith.constant 2 : i32
      %mul3A_82 = arith.muli %scan3A_80, %mul3A_81 : i32
      %add3A_83 = arith.constant 0 : i32
      %add3A_84 = arith.addi %add3A_83, %mul3A_82 : i32
      %add3A_85 = arith.constant 0 : i32
      %add3A_86 = arith.addi %add3A_84, %add3A_85 : i32
      %dma_wait3A_87 = arith.constant 0 : i32
      %dma_wait3A_88 = tpu.memref_slice %arg6[%add3A_86, %dma_wait3A_87] : memref<40x125xi32, #tpu.memory_space<vmem>> -> memref<1x125xi32, #tpu.memory_space<vmem>>
      %dma_wait3A_89 = tpu.memref_squeeze %dma_wait3A_88 : memref<1x125xi32, #tpu.memory_space<vmem>> -> memref<125xi32, #tpu.memory_space<vmem>>
      %dma_wait3A_90 = arith.constant 0 : i32
      %dma_wait3A_91 = arith.constant 0 : i32
      %dma_wait3A_92 = tpu.memref_slice %arg2[%dma_wait3A_90, %dma_wait3A_91] : memref<10000x128xf32, #tpu.memory_space<hbm>> -> memref<10000x128xf32, #tpu.memory_space<hbm>>
      tpu.wait_indirect_dma semaphore(%arg11 : memref<!tpu.dma_semaphore, #tpu.memory_space<semaphore_mem>>) src(%dma_wait3A_92 : memref<10000x128xf32, #tpu.memory_space<hbm>>) dst(%arg8 : memref<125x128xf32, #tpu.memory_space<vmem>>)
      %add3A_93 = arith.constant 1 : i32
      %add3A_94 = arith.addi %add3A_86, %add3A_93 : i32
      %lt3A = arith.constant 40 : i32
      %lt3A_95 = arith.cmpi slt, %add3A_94, %lt3A : i32
      %convert_element_type3A = arith.extui %lt3A_95 : i1 to i32
      %cond3A = arith.constant 0 : i32
      %cond3A_96 = arith.cmpi ne, %convert_element_type3A, %cond3A : i32
      scf.if %cond3A_96 {
        %dma_start3A_112 = arith.constant 0 : i32
        %dma_start3A_113 = tpu.memref_slice %arg6[%add3A_94, %dma_start3A_112] : memref<40x125xi32, #tpu.memory_space<vmem>> -> memref<1x125xi32, #tpu.memory_space<vmem>>
        %dma_start3A_114 = tpu.memref_squeeze %dma_start3A_113 : memref<1x125xi32, #tpu.memory_space<vmem>> -> memref<125xi32, #tpu.memory_space<vmem>>
        %dma_start3A_115 = arith.constant 0 : i32
        %dma_start3A_116 = arith.constant 0 : i32
        %dma_start3A_117 = tpu.memref_slice %arg2[%dma_start3A_115, %dma_start3A_116] : memref<10000x128xf32, #tpu.memory_space<hbm>> -> memref<10000x128xf32, #tpu.memory_space<hbm>>
        tpu.enqueue_indirect_dma source(%dma_start3A_117 : memref<10000x128xf32, #tpu.memory_space<hbm>>) target(%arg9 : memref<125x128xf32, #tpu.memory_space<vmem>>) offsets(%dma_start3A_114 : memref<125xi32, #tpu.memory_space<vmem>>) semaphore(%arg12 : memref<!tpu.dma_semaphore, #tpu.memory_space<semaphore_mem>>)
      } else {
      }
      "tpu.region"() ({
        %run_scoped3A_112 = tpu.sem_alloc : memref<!tpu.dma_semaphore, #tpu.memory_space<semaphore_mem>>
        %dma_start3A_113 = arith.constant 0 : i32
        %dma_start3A_114 = tpu.memref_slice %arg7[%add3A_86, %dma_start3A_113] : memref<40x125xi32, #tpu.memory_space<vmem>> -> memref<1x125xi32, #tpu.memory_space<vmem>>
        %dma_start3A_115 = tpu.memref_squeeze %dma_start3A_114 : memref<1x125xi32, #tpu.memory_space<vmem>> -> memref<125xi32, #tpu.memory_space<vmem>>
        %dma_start3A_116 = arith.constant 0 : i32
        %dma_start3A_117 = arith.constant 0 : i32
        %dma_start3A_118 = tpu.memref_slice %arg10[%dma_start3A_116, %dma_start3A_117] : memref<10112x128xf32, #tpu.memory_space<vmem_shared>> -> memref<10112x128xf32, #tpu.memory_space<vmem_shared>>
        tpu.enqueue_indirect_dma source(%arg8 : memref<125x128xf32, #tpu.memory_space<vmem>>) target(%dma_start3A_118 : memref<10112x128xf32, #tpu.memory_space<vmem_shared>>) offsets(%dma_start3A_115 : memref<125xi32, #tpu.memory_space<vmem>>) semaphore(%run_scoped3A_112 : memref<!tpu.dma_semaphore, #tpu.memory_space<semaphore_mem>>) {add = true}
        %dma_wait3A_119 = arith.constant 0 : i32
        %dma_wait3A_120 = tpu.memref_slice %arg7[%add3A_86, %dma_wait3A_119] : memref<40x125xi32, #tpu.memory_space<vmem>> -> memref<1x125xi32, #tpu.memory_space<vmem>>
        %dma_wait3A_121 = tpu.memref_squeeze %dma_wait3A_120 : memref<1x125xi32, #tpu.memory_space<vmem>> -> memref<125xi32, #tpu.memory_space<vmem>>
        %dma_wait3A_122 = arith.constant 0 : i32
        %dma_wait3A_123 = arith.constant 0 : i32
        %dma_wait3A_124 = tpu.memref_slice %arg10[%dma_wait3A_122, %dma_wait3A_123] : memref<10112x128xf32, #tpu.memory_space<vmem_shared>> -> memref<10112x128xf32, #tpu.memory_space<vmem_shared>>
        tpu.wait_indirect_dma semaphore(%run_scoped3A_112 : memref<!tpu.dma_semaphore, #tpu.memory_space<semaphore_mem>>) src(%arg8 : memref<125x128xf32, #tpu.memory_space<vmem>>) dst(%dma_wait3A_124 : memref<10112x128xf32, #tpu.memory_space<vmem_shared>>)
        tpu.yield
      }) : () -> ()
      %add3A_97 = arith.constant 1 : i32
      %add3A_98 = arith.addi %add3A_84, %add3A_97 : i32
      %dma_wait3A_99 = arith.constant 0 : i32
      %dma_wait3A_100 = tpu.memref_slice %arg6[%add3A_98, %dma_wait3A_99] : memref<40x125xi32, #tpu.memory_space<vmem>> -> memref<1x125xi32, #tpu.memory_space<vmem>>
      %dma_wait3A_101 = tpu.memref_squeeze %dma_wait3A_100 : memref<1x125xi32, #tpu.memory_space<vmem>> -> memref<125xi32, #tpu.memory_space<vmem>>
      %dma_wait3A_102 = arith.constant 0 : i32
      %dma_wait3A_103 = arith.constant 0 : i32
      %dma_wait3A_104 = tpu.memref_slice %arg2[%dma_wait3A_102, %dma_wait3A_103] : memref<10000x128xf32, #tpu.memory_space<hbm>> -> memref<10000x128xf32, #tpu.memory_space<hbm>>
      tpu.wait_indirect_dma semaphore(%arg12 : memref<!tpu.dma_semaphore, #tpu.memory_space<semaphore_mem>>) src(%dma_wait3A_104 : memref<10000x128xf32, #tpu.memory_space<hbm>>) dst(%arg9 : memref<125x128xf32, #tpu.memory_space<vmem>>)
      %add3A_105 = arith.constant 1 : i32
      %add3A_106 = arith.addi %add3A_98, %add3A_105 : i32
      %lt3A_107 = arith.constant 40 : i32
      %lt3A_108 = arith.cmpi slt, %add3A_106, %lt3A_107 : i32
      %convert_element_type3A_109 = arith.extui %lt3A_108 : i1 to i32
      %cond3A_110 = arith.constant 0 : i32
      %cond3A_111 = arith.cmpi ne, %convert_element_type3A_109, %cond3A_110 : i32
      scf.if %cond3A_111 {
        %dma_start3A_112 = arith.constant 0 : i32
        %dma_start3A_113 = tpu.memref_slice %arg6[%add3A_106, %dma_start3A_112] : memref<40x125xi32, #tpu.memory_space<vmem>> -> memref<1x125xi32, #tpu.memory_space<vmem>>
        %dma_start3A_114 = tpu.memref_squeeze %dma_start3A_113 : memref<1x125xi32, #tpu.memory_space<vmem>> -> memref<125xi32, #tpu.memory_space<vmem>>
        %dma_start3A_115 = arith.constant 0 : i32
        %dma_start3A_116 = arith.constant 0 : i32
        %dma_start3A_117 = tpu.memref_slice %arg2[%dma_start3A_115, %dma_start3A_116] : memref<10000x128xf32, #tpu.memory_space<hbm>> -> memref<10000x128xf32, #tpu.memory_space<hbm>>
        tpu.enqueue_indirect_dma source(%dma_start3A_117 : memref<10000x128xf32, #tpu.memory_space<hbm>>) target(%arg8 : memref<125x128xf32, #tpu.memory_space<vmem>>) offsets(%dma_start3A_114 : memref<125xi32, #tpu.memory_space<vmem>>) semaphore(%arg11 : memref<!tpu.dma_semaphore, #tpu.memory_space<semaphore_mem>>)
      } else {
      }
      "tpu.region"() ({
        %run_scoped3A_112 = tpu.sem_alloc : memref<!tpu.dma_semaphore, #tpu.memory_space<semaphore_mem>>
        %dma_start3A_113 = arith.constant 0 : i32
        %dma_start3A_114 = tpu.memref_slice %arg7[%add3A_98, %dma_start3A_113] : memref<40x125xi32, #tpu.memory_space<vmem>> -> memref<1x125xi32, #tpu.memory_space<vmem>>
        %dma_start3A_115 = tpu.memref_squeeze %dma_start3A_114 : memref<1x125xi32, #tpu.memory_space<vmem>> -> memref<125xi32, #tpu.memory_space<vmem>>
        %dma_start3A_116 = arith.constant 0 : i32
        %dma_start3A_117 = arith.constant 0 : i32
        %dma_start3A_118 = tpu.memref_slice %arg10[%dma_start3A_116, %dma_start3A_117] : memref<10112x128xf32, #tpu.memory_space<vmem_shared>> -> memref<10112x128xf32, #tpu.memory_space<vmem_shared>>
        tpu.enqueue_indirect_dma source(%arg9 : memref<125x128xf32, #tpu.memory_space<vmem>>) target(%dma_start3A_118 : memref<10112x128xf32, #tpu.memory_space<vmem_shared>>) offsets(%dma_start3A_115 : memref<125xi32, #tpu.memory_space<vmem>>) semaphore(%run_scoped3A_112 : memref<!tpu.dma_semaphore, #tpu.memory_space<semaphore_mem>>) {add = true}
        %dma_wait3A_119 = arith.constant 0 : i32
        %dma_wait3A_120 = tpu.memref_slice %arg7[%add3A_98, %dma_wait3A_119] : memref<40x125xi32, #tpu.memory_space<vmem>> -> memref<1x125xi32, #tpu.memory_space<vmem>>
        %dma_wait3A_121 = tpu.memref_squeeze %dma_wait3A_120 : memref<1x125xi32, #tpu.memory_space<vmem>> -> memref<125xi32, #tpu.memory_space<vmem>>
        %dma_wait3A_122 = arith.constant 0 : i32
        %dma_wait3A_123 = arith.constant 0 : i32
        %dma_wait3A_124 = tpu.memref_slice %arg10[%dma_wait3A_122, %dma_wait3A_123] : memref<10112x128xf32, #tpu.memory_space<vmem_shared>> -> memref<10112x128xf32, #tpu.memory_space<vmem_shared>>
        tpu.wait_indirect_dma semaphore(%run_scoped3A_112 : memref<!tpu.dma_semaphore, #tpu.memory_space<semaphore_mem>>) src(%arg9 : memref<125x128xf32, #tpu.memory_space<vmem>>) dst(%dma_wait3A_124 : memref<10112x128xf32, #tpu.memory_space<vmem_shared>>)
        tpu.yield
      }) : () -> ()
    }
    %scan3A_53 = arith.constant 20 : i32
    %mul3A_54 = arith.constant 80 : i32
    %mul3A_55 = arith.muli %add3A, %mul3A_54 : i32
    %add3A_56 = arith.constant 40 : i32
    %add3A_57 = arith.addi %mul3A_55, %add3A_56 : i32
    %run_scoped3A = arith.constant 0 : i32
    "tpu.region"() ({
      %run_scoped3A_80 = tpu.sem_alloc : memref<!tpu.dma_semaphore, #tpu.memory_space<semaphore_mem>>
      %dma_start3A_81 = arith.constant 0 : i32
      %dma_start3A_82 = tpu.memref_slice %arg3[%run_scoped3A, %add3A_57, %dma_start3A_81] : memref<2x2560x125xi32, #tpu.memory_space<hbm>> -> memref<1x40x125xi32, #tpu.memory_space<hbm>>
      %dma_start3A_83 = tpu.memref_squeeze %dma_start3A_82 : memref<1x40x125xi32, #tpu.memory_space<hbm>> -> memref<40x125xi32, #tpu.memory_space<hbm>>
      %dma_start3A_84 = arith.constant 0 : i32
      %dma_start3A_85 = tpu.memref_slice %arg3[%run_scoped3A, %add3A_57, %dma_start3A_84] : memref<2x2560x125xi32, #tpu.memory_space<hbm>> -> memref<1x40x125xi32, #tpu.memory_space<hbm>>
      %dma_start3A_86 = tpu.memref_squeeze %dma_start3A_85 : memref<1x40x125xi32, #tpu.memory_space<hbm>> -> memref<40x125xi32, #tpu.memory_space<hbm>>
      tpu.enqueue_dma source(%dma_start3A_86 : memref<40x125xi32, #tpu.memory_space<hbm>>) target(%arg6 : memref<40x125xi32, #tpu.memory_space<vmem>>) target_semaphore(%run_scoped3A_80 : memref<!tpu.dma_semaphore, #tpu.memory_space<semaphore_mem>>)
      %dma_wait3A_87 = arith.constant 0 : i32
      %dma_wait3A_88 = tpu.memref_slice %arg3[%run_scoped3A, %add3A_57, %dma_wait3A_87] : memref<2x2560x125xi32, #tpu.memory_space<hbm>> -> memref<1x40x125xi32, #tpu.memory_space<hbm>>
      %dma_wait3A_89 = tpu.memref_squeeze %dma_wait3A_88 : memref<1x40x125xi32, #tpu.memory_space<hbm>> -> memref<40x125xi32, #tpu.memory_space<hbm>>
      %dma_wait3A_90 = arith.constant 0 : i32
      %dma_wait3A_91 = tpu.memref_slice %arg3[%run_scoped3A, %add3A_57, %dma_wait3A_90] : memref<2x2560x125xi32, #tpu.memory_space<hbm>> -> memref<1x40x125xi32, #tpu.memory_space<hbm>>
      %dma_wait3A_92 = tpu.memref_squeeze %dma_wait3A_91 : memref<1x40x125xi32, #tpu.memory_space<hbm>> -> memref<40x125xi32, #tpu.memory_space<hbm>>
      tpu.wait_dma2 semaphore(%run_scoped3A_80 : memref<!tpu.dma_semaphore, #tpu.memory_space<semaphore_mem>>) src(%dma_wait3A_92 : memref<40x125xi32, #tpu.memory_space<hbm>>) dst(%arg6 : memref<40x125xi32, #tpu.memory_space<vmem>>)
      tpu.yield
    }) : () -> ()
    %mul3A_58 = arith.constant 80 : i32
    %mul3A_59 = arith.muli %add3A, %mul3A_58 : i32
    %add3A_60 = arith.constant 40 : i32
    %add3A_61 = arith.addi %mul3A_59, %add3A_60 : i32
    %run_scoped3A_62 = arith.constant 1 : i32
    "tpu.region"() ({
      %run_scoped3A_80 = tpu.sem_alloc : memref<!tpu.dma_semaphore, #tpu.memory_space<semaphore_mem>>
      %dma_start3A_81 = arith.constant 0 : i32
      %dma_start3A_82 = tpu.memref_slice %arg3[%run_scoped3A_62, %add3A_61, %dma_start3A_81] : memref<2x2560x125xi32, #tpu.memory_space<hbm>> -> memref<1x40x125xi32, #tpu.memory_space<hbm>>
      %dma_start3A_83 = tpu.memref_squeeze %dma_start3A_82 : memref<1x40x125xi32, #tpu.memory_space<hbm>> -> memref<40x125xi32, #tpu.memory_space<hbm>>
      %dma_start3A_84 = arith.constant 0 : i32
      %dma_start3A_85 = tpu.memref_slice %arg3[%run_scoped3A_62, %add3A_61, %dma_start3A_84] : memref<2x2560x125xi32, #tpu.memory_space<hbm>> -> memref<1x40x125xi32, #tpu.memory_space<hbm>>
      %dma_start3A_86 = tpu.memref_squeeze %dma_start3A_85 : memref<1x40x125xi32, #tpu.memory_space<hbm>> -> memref<40x125xi32, #tpu.memory_space<hbm>>
      tpu.enqueue_dma source(%dma_start3A_86 : memref<40x125xi32, #tpu.memory_space<hbm>>) target(%arg7 : memref<40x125xi32, #tpu.memory_space<vmem>>) target_semaphore(%run_scoped3A_80 : memref<!tpu.dma_semaphore, #tpu.memory_space<semaphore_mem>>)
      %dma_wait3A_87 = arith.constant 0 : i32
      %dma_wait3A_88 = tpu.memref_slice %arg3[%run_scoped3A_62, %add3A_61, %dma_wait3A_87] : memref<2x2560x125xi32, #tpu.memory_space<hbm>> -> memref<1x40x125xi32, #tpu.memory_space<hbm>>
      %dma_wait3A_89 = tpu.memref_squeeze %dma_wait3A_88 : memref<1x40x125xi32, #tpu.memory_space<hbm>> -> memref<40x125xi32, #tpu.memory_space<hbm>>
      %dma_wait3A_90 = arith.constant 0 : i32
      %dma_wait3A_91 = tpu.memref_slice %arg3[%run_scoped3A_62, %add3A_61, %dma_wait3A_90] : memref<2x2560x125xi32, #tpu.memory_space<hbm>> -> memref<1x40x125xi32, #tpu.memory_space<hbm>>
      %dma_wait3A_92 = tpu.memref_squeeze %dma_wait3A_91 : memref<1x40x125xi32, #tpu.memory_space<hbm>> -> memref<40x125xi32, #tpu.memory_space<hbm>>
      tpu.wait_dma2 semaphore(%run_scoped3A_80 : memref<!tpu.dma_semaphore, #tpu.memory_space<semaphore_mem>>) src(%dma_wait3A_92 : memref<40x125xi32, #tpu.memory_space<hbm>>) dst(%arg7 : memref<40x125xi32, #tpu.memory_space<vmem>>)
      tpu.yield
    }) : () -> ()
    %dma_start3A_63 = arith.constant 0 : i32
    %dma_start3A_64 = arith.constant 0 : i32
    %dma_start3A_65 = tpu.memref_slice %arg6[%dma_start3A_63, %dma_start3A_64] : memref<40x125xi32, #tpu.memory_space<vmem>> -> memref<1x125xi32, #tpu.memory_space<vmem>>
    %dma_start3A_66 = tpu.memref_squeeze %dma_start3A_65 : memref<1x125xi32, #tpu.memory_space<vmem>> -> memref<125xi32, #tpu.memory_space<vmem>>
    %dma_start3A_67 = arith.constant 0 : i32
    %dma_start3A_68 = arith.constant 0 : i32
    %dma_start3A_69 = tpu.memref_slice %arg2[%dma_start3A_67, %dma_start3A_68] : memref<10000x128xf32, #tpu.memory_space<hbm>> -> memref<10000x128xf32, #tpu.memory_space<hbm>>
    tpu.enqueue_indirect_dma source(%dma_start3A_69 : memref<10000x128xf32, #tpu.memory_space<hbm>>) target(%arg8 : memref<125x128xf32, #tpu.memory_space<vmem>>) offsets(%dma_start3A_66 : memref<125xi32, #tpu.memory_space<vmem>>) semaphore(%arg11 : memref<!tpu.dma_semaphore, #tpu.memory_space<semaphore_mem>>)
    %scan3A_70 = arith.constant 0 : i32
    %scan3A_71 = arith.constant 20 : i32
    %scan3A_72 = arith.addi %scan3A_70, %scan3A_71 : i32
    %scan3A_73 = arith.constant 1 : i32
    scf.for %scan3A_80 = %scan3A_70 to %scan3A_72 step %scan3A_73  : i32 {
      %mul3A_81 = arith.constant 2 : i32
      %mul3A_82 = arith.muli %scan3A_80, %mul3A_81 : i32
      %add3A_83 = arith.constant 0 : i32
      %add3A_84 = arith.addi %add3A_83, %mul3A_82 : i32
      %add3A_85 = arith.constant 0 : i32
      %add3A_86 = arith.addi %add3A_84, %add3A_85 : i32
      %dma_wait3A_87 = arith.constant 0 : i32
      %dma_wait3A_88 = tpu.memref_slice %arg6[%add3A_86, %dma_wait3A_87] : memref<40x125xi32, #tpu.memory_space<vmem>> -> memref<1x125xi32, #tpu.memory_space<vmem>>
      %dma_wait3A_89 = tpu.memref_squeeze %dma_wait3A_88 : memref<1x125xi32, #tpu.memory_space<vmem>> -> memref<125xi32, #tpu.memory_space<vmem>>
      %dma_wait3A_90 = arith.constant 0 : i32
      %dma_wait3A_91 = arith.constant 0 : i32
      %dma_wait3A_92 = tpu.memref_slice %arg2[%dma_wait3A_90, %dma_wait3A_91] : memref<10000x128xf32, #tpu.memory_space<hbm>> -> memref<10000x128xf32, #tpu.memory_space<hbm>>
      tpu.wait_indirect_dma semaphore(%arg11 : memref<!tpu.dma_semaphore, #tpu.memory_space<semaphore_mem>>) src(%dma_wait3A_92 : memref<10000x128xf32, #tpu.memory_space<hbm>>) dst(%arg8 : memref<125x128xf32, #tpu.memory_space<vmem>>)
      %add3A_93 = arith.constant 1 : i32
      %add3A_94 = arith.addi %add3A_86, %add3A_93 : i32
      %lt3A = arith.constant 40 : i32
      %lt3A_95 = arith.cmpi slt, %add3A_94, %lt3A : i32
      %convert_element_type3A = arith.extui %lt3A_95 : i1 to i32
      %cond3A = arith.constant 0 : i32
      %cond3A_96 = arith.cmpi ne, %convert_element_type3A, %cond3A : i32
      scf.if %cond3A_96 {
        %dma_start3A_112 = arith.constant 0 : i32
        %dma_start3A_113 = tpu.memref_slice %arg6[%add3A_94, %dma_start3A_112] : memref<40x125xi32, #tpu.memory_space<vmem>> -> memref<1x125xi32, #tpu.memory_space<vmem>>
        %dma_start3A_114 = tpu.memref_squeeze %dma_start3A_113 : memref<1x125xi32, #tpu.memory_space<vmem>> -> memref<125xi32, #tpu.memory_space<vmem>>
        %dma_start3A_115 = arith.constant 0 : i32
        %dma_start3A_116 = arith.constant 0 : i32
        %dma_start3A_117 = tpu.memref_slice %arg2[%dma_start3A_115, %dma_start3A_116] : memref<10000x128xf32, #tpu.memory_space<hbm>> -> memref<10000x128xf32, #tpu.memory_space<hbm>>
        tpu.enqueue_indirect_dma source(%dma_start3A_117 : memref<10000x128xf32, #tpu.memory_space<hbm>>) target(%arg9 : memref<125x128xf32, #tpu.memory_space<vmem>>) offsets(%dma_start3A_114 : memref<125xi32, #tpu.memory_space<vmem>>) semaphore(%arg12 : memref<!tpu.dma_semaphore, #tpu.memory_space<semaphore_mem>>)
      } else {
      }
      "tpu.region"() ({
        %run_scoped3A_112 = tpu.sem_alloc : memref<!tpu.dma_semaphore, #tpu.memory_space<semaphore_mem>>
        %dma_start3A_113 = arith.constant 0 : i32
        %dma_start3A_114 = tpu.memref_slice %arg7[%add3A_86, %dma_start3A_113] : memref<40x125xi32, #tpu.memory_space<vmem>> -> memref<1x125xi32, #tpu.memory_space<vmem>>
        %dma_start3A_115 = tpu.memref_squeeze %dma_start3A_114 : memref<1x125xi32, #tpu.memory_space<vmem>> -> memref<125xi32, #tpu.memory_space<vmem>>
        %dma_start3A_116 = arith.constant 0 : i32
        %dma_start3A_117 = arith.constant 0 : i32
        %dma_start3A_118 = tpu.memref_slice %arg10[%dma_start3A_116, %dma_start3A_117] : memref<10112x128xf32, #tpu.memory_space<vmem_shared>> -> memref<10112x128xf32, #tpu.memory_space<vmem_shared>>
        tpu.enqueue_indirect_dma source(%arg8 : memref<125x128xf32, #tpu.memory_space<vmem>>) target(%dma_start3A_118 : memref<10112x128xf32, #tpu.memory_space<vmem_shared>>) offsets(%dma_start3A_115 : memref<125xi32, #tpu.memory_space<vmem>>) semaphore(%run_scoped3A_112 : memref<!tpu.dma_semaphore, #tpu.memory_space<semaphore_mem>>) {add = true}
        %dma_wait3A_119 = arith.constant 0 : i32
        %dma_wait3A_120 = tpu.memref_slice %arg7[%add3A_86, %dma_wait3A_119] : memref<40x125xi32, #tpu.memory_space<vmem>> -> memref<1x125xi32, #tpu.memory_space<vmem>>
        %dma_wait3A_121 = tpu.memref_squeeze %dma_wait3A_120 : memref<1x125xi32, #tpu.memory_space<vmem>> -> memref<125xi32, #tpu.memory_space<vmem>>
        %dma_wait3A_122 = arith.constant 0 : i32
        %dma_wait3A_123 = arith.constant 0 : i32
        %dma_wait3A_124 = tpu.memref_slice %arg10[%dma_wait3A_122, %dma_wait3A_123] : memref<10112x128xf32, #tpu.memory_space<vmem_shared>> -> memref<10112x128xf32, #tpu.memory_space<vmem_shared>>
        tpu.wait_indirect_dma semaphore(%run_scoped3A_112 : memref<!tpu.dma_semaphore, #tpu.memory_space<semaphore_mem>>) src(%arg8 : memref<125x128xf32, #tpu.memory_space<vmem>>) dst(%dma_wait3A_124 : memref<10112x128xf32, #tpu.memory_space<vmem_shared>>)
        tpu.yield
      }) : () -> ()
      %add3A_97 = arith.constant 1 : i32
      %add3A_98 = arith.addi %add3A_84, %add3A_97 : i32
      %dma_wait3A_99 = arith.constant 0 : i32
      %dma_wait3A_100 = tpu.memref_slice %arg6[%add3A_98, %dma_wait3A_99] : memref<40x125xi32, #tpu.memory_space<vmem>> -> memref<1x125xi32, #tpu.memory_space<vmem>>
      %dma_wait3A_101 = tpu.memref_squeeze %dma_wait3A_100 : memref<1x125xi32, #tpu.memory_space<vmem>> -> memref<125xi32, #tpu.memory_space<vmem>>
      %dma_wait3A_102 = arith.constant 0 : i32
      %dma_wait3A_103 = arith.constant 0 : i32
      %dma_wait3A_104 = tpu.memref_slice %arg2[%dma_wait3A_102, %dma_wait3A_103] : memref<10000x128xf32, #tpu.memory_space<hbm>> -> memref<10000x128xf32, #tpu.memory_space<hbm>>
      tpu.wait_indirect_dma semaphore(%arg12 : memref<!tpu.dma_semaphore, #tpu.memory_space<semaphore_mem>>) src(%dma_wait3A_104 : memref<10000x128xf32, #tpu.memory_space<hbm>>) dst(%arg9 : memref<125x128xf32, #tpu.memory_space<vmem>>)
      %add3A_105 = arith.constant 1 : i32
      %add3A_106 = arith.addi %add3A_98, %add3A_105 : i32
      %lt3A_107 = arith.constant 40 : i32
      %lt3A_108 = arith.cmpi slt, %add3A_106, %lt3A_107 : i32
      %convert_element_type3A_109 = arith.extui %lt3A_108 : i1 to i32
      %cond3A_110 = arith.constant 0 : i32
      %cond3A_111 = arith.cmpi ne, %convert_element_type3A_109, %cond3A_110 : i32
      scf.if %cond3A_111 {
        %dma_start3A_112 = arith.constant 0 : i32
        %dma_start3A_113 = tpu.memref_slice %arg6[%add3A_106, %dma_start3A_112] : memref<40x125xi32, #tpu.memory_space<vmem>> -> memref<1x125xi32, #tpu.memory_space<vmem>>
        %dma_start3A_114 = tpu.memref_squeeze %dma_start3A_113 : memref<1x125xi32, #tpu.memory_space<vmem>> -> memref<125xi32, #tpu.memory_space<vmem>>
        %dma_start3A_115 = arith.constant 0 : i32
        %dma_start3A_116 = arith.constant 0 : i32
        %dma_start3A_117 = tpu.memref_slice %arg2[%dma_start3A_115, %dma_start3A_116] : memref<10000x128xf32, #tpu.memory_space<hbm>> -> memref<10000x128xf32, #tpu.memory_space<hbm>>
        tpu.enqueue_indirect_dma source(%dma_start3A_117 : memref<10000x128xf32, #tpu.memory_space<hbm>>) target(%arg8 : memref<125x128xf32, #tpu.memory_space<vmem>>) offsets(%dma_start3A_114 : memref<125xi32, #tpu.memory_space<vmem>>) semaphore(%arg11 : memref<!tpu.dma_semaphore, #tpu.memory_space<semaphore_mem>>)
      } else {
      }
      "tpu.region"() ({
        %run_scoped3A_112 = tpu.sem_alloc : memref<!tpu.dma_semaphore, #tpu.memory_space<semaphore_mem>>
        %dma_start3A_113 = arith.constant 0 : i32
        %dma_start3A_114 = tpu.memref_slice %arg7[%add3A_98, %dma_start3A_113] : memref<40x125xi32, #tpu.memory_space<vmem>> -> memref<1x125xi32, #tpu.memory_space<vmem>>
        %dma_start3A_115 = tpu.memref_squeeze %dma_start3A_114 : memref<1x125xi32, #tpu.memory_space<vmem>> -> memref<125xi32, #tpu.memory_space<vmem>>
        %dma_start3A_116 = arith.constant 0 : i32
        %dma_start3A_117 = arith.constant 0 : i32
        %dma_start3A_118 = tpu.memref_slice %arg10[%dma_start3A_116, %dma_start3A_117] : memref<10112x128xf32, #tpu.memory_space<vmem_shared>> -> memref<10112x128xf32, #tpu.memory_space<vmem_shared>>
        tpu.enqueue_indirect_dma source(%arg9 : memref<125x128xf32, #tpu.memory_space<vmem>>) target(%dma_start3A_118 : memref<10112x128xf32, #tpu.memory_space<vmem_shared>>) offsets(%dma_start3A_115 : memref<125xi32, #tpu.memory_space<vmem>>) semaphore(%run_scoped3A_112 : memref<!tpu.dma_semaphore, #tpu.memory_space<semaphore_mem>>) {add = true}
        %dma_wait3A_119 = arith.constant 0 : i32
        %dma_wait3A_120 = tpu.memref_slice %arg7[%add3A_98, %dma_wait3A_119] : memref<40x125xi32, #tpu.memory_space<vmem>> -> memref<1x125xi32, #tpu.memory_space<vmem>>
        %dma_wait3A_121 = tpu.memref_squeeze %dma_wait3A_120 : memref<1x125xi32, #tpu.memory_space<vmem>> -> memref<125xi32, #tpu.memory_space<vmem>>
        %dma_wait3A_122 = arith.constant 0 : i32
        %dma_wait3A_123 = arith.constant 0 : i32
        %dma_wait3A_124 = tpu.memref_slice %arg10[%dma_wait3A_122, %dma_wait3A_123] : memref<10112x128xf32, #tpu.memory_space<vmem_shared>> -> memref<10112x128xf32, #tpu.memory_space<vmem_shared>>
        tpu.wait_indirect_dma semaphore(%run_scoped3A_112 : memref<!tpu.dma_semaphore, #tpu.memory_space<semaphore_mem>>) src(%arg9 : memref<125x128xf32, #tpu.memory_space<vmem>>) dst(%dma_wait3A_124 : memref<10112x128xf32, #tpu.memory_space<vmem_shared>>)
        tpu.yield
      }) : () -> ()
    }
    %scan3A_74 = arith.constant 20 : i32
    %barrier3A_75 = arith.constant 0 : index
    tpu.barrier barrier_id(%barrier3A_75)
    %mul3A_76 = arith.constant 632 : i32
    %mul3A_77 = arith.muli %arg1, %mul3A_76 : i32
    %mul3A_78 = arith.constant 632 : i32
    %mul3A_79 = arith.muli %arg1, %mul3A_78 : i32
    "tpu.region"() ({
      %run_scoped3A_80 = tpu.sem_alloc : memref<!tpu.dma_semaphore, #tpu.memory_space<semaphore_mem>>
      %dma_start3A_81 = arith.constant 0 : i32
      %dma_start3A_82 = tpu.memref_slice %arg5[%arg0, %mul3A_79, %dma_start3A_81] : memref<2x10112x128xf32, #tpu.memory_space<hbm>> -> memref<1x632x128xf32, #tpu.memory_space<hbm>>
      %dma_start3A_83 = tpu.memref_squeeze %dma_start3A_82 : memref<1x632x128xf32, #tpu.memory_space<hbm>> -> memref<632x128xf32, #tpu.memory_space<hbm>>
      %dma_start3A_84 = arith.constant 0 : i32
      %dma_start3A_85 = tpu.memref_slice %arg10[%mul3A_77, %dma_start3A_84] : memref<10112x128xf32, #tpu.memory_space<vmem_shared>> -> memref<632x128xf32, #tpu.memory_space<vmem_shared>>
      tpu.enqueue_dma source(%dma_start3A_85 : memref<632x128xf32, #tpu.memory_space<vmem_shared>>) target(%dma_start3A_83 : memref<632x128xf32, #tpu.memory_space<hbm>>) target_semaphore(%run_scoped3A_80 : memref<!tpu.dma_semaphore, #tpu.memory_space<semaphore_mem>>)
      %dma_wait3A_86 = arith.constant 0 : i32
      %dma_wait3A_87 = tpu.memref_slice %arg5[%arg0, %mul3A_79, %dma_wait3A_86] : memref<2x10112x128xf32, #tpu.memory_space<hbm>> -> memref<1x632x128xf32, #tpu.memory_space<hbm>>
      %dma_wait3A_88 = tpu.memref_squeeze %dma_wait3A_87 : memref<1x632x128xf32, #tpu.memory_space<hbm>> -> memref<632x128xf32, #tpu.memory_space<hbm>>
      %dma_wait3A_89 = arith.constant 0 : i32
      %dma_wait3A_90 = tpu.memref_slice %arg10[%mul3A_77, %dma_wait3A_89] : memref<10112x128xf32, #tpu.memory_space<vmem_shared>> -> memref<632x128xf32, #tpu.memory_space<vmem_shared>>
      tpu.wait_dma2 semaphore(%run_scoped3A_80 : memref<!tpu.dma_semaphore, #tpu.memory_space<semaphore_mem>>) src(%dma_wait3A_90 : memref<632x128xf32, #tpu.memory_space<vmem_shared>>) dst(%dma_wait3A_88 : memref<632x128xf32, #tpu.memory_space<hbm>>)
      tpu.yield
    }) : () -> ()
    return
  }
}

#map = affine_map<(d0, d1) -> (0, 0)>
#map1 = affine_map<(d0, d1) -> (0, 0, 0)>
module attributes {stable_mosaic.version = 14 : i64} {
  func.func @_sc_agg_body(%arg0: i32, %arg1: i32, %arg2: memref<10000x128xf32, #tpu.memory_space<hbm>>, %arg3: memref<2x2560x125xi32, #tpu.memory_space<hbm>>, %arg4: memref<10112x128xf32, #tpu.memory_space<hbm>>, %arg5: memref<2x10112x128xf32, #tpu.memory_space<hbm>>, %arg6: memref<40x125xi32, #tpu.memory_space<vmem>>, %arg7: memref<40x125xi32, #tpu.memory_space<vmem>>, %arg8: memref<125x128xf32, #tpu.memory_space<vmem>>, %arg9: memref<125x128xf32, #tpu.memory_space<vmem>>, %arg10: memref<10112x128xf32, #tpu.memory_space<vmem_shared>>, %arg11: memref<!tpu.dma_semaphore, #tpu.memory_space<semaphore_mem>>, %arg12: memref<!tpu.dma_semaphore, #tpu.memory_space<semaphore_mem>>, %arg13: memref<!tpu.dma_semaphore, #tpu.memory_space<semaphore_mem>>, %arg14: memref<!tpu.dma_semaphore, #tpu.memory_space<semaphore_mem>>) attributes {dimension_semantics = [#tpu.dimension_semantics<core_parallel>, #tpu.dimension_semantics<subcore_parallel>], iteration_bounds = array<i64: 2, 16>, scalar_prefetch = 0 : i64, scratch_operands = 9 : i64, tpu.core_type = #tpu.core_type<sc_vector_subcore>, window_params = [{transform_indices = #map}, {transform_indices = #map1}, {transform_indices = #map}, {transform_indices = #map1}]} {
    %mul3A = arith.constant 16 : i32
    %mul3A_0 = arith.muli %arg0, %mul3A : i32
    %add3A = arith.addi %mul3A_0, %arg1 : i32
    %mul3A_1 = arith.constant 632 : i32
    %mul3A_2 = arith.muli %arg1, %mul3A_1 : i32
    %mul3A_3 = arith.constant 632 : i32
    %mul3A_4 = arith.muli %arg1, %mul3A_3 : i32
    %dma_start3A = arith.constant 0 : i32
    %dma_start3A_5 = tpu.memref_slice %arg10[%mul3A_4, %dma_start3A] : memref<10112x128xf32, #tpu.memory_space<vmem_shared>> -> memref<632x128xf32, #tpu.memory_space<vmem_shared>>
    %dma_start3A_6 = arith.constant 0 : i32
    %dma_start3A_7 = tpu.memref_slice %arg4[%mul3A_2, %dma_start3A_6] : memref<10112x128xf32, #tpu.memory_space<hbm>> -> memref<632x128xf32, #tpu.memory_space<hbm>>
    tpu.enqueue_dma source(%dma_start3A_7 : memref<632x128xf32, #tpu.memory_space<hbm>>) target(%dma_start3A_5 : memref<632x128xf32, #tpu.memory_space<vmem_shared>>) target_semaphore(%arg13 : memref<!tpu.dma_semaphore, #tpu.memory_space<semaphore_mem>>)
    %mul3A_8 = arith.constant 80 : i32
    %mul3A_9 = arith.muli %add3A, %mul3A_8 : i32
    %dma_start3A_10 = arith.constant 0 : i32
    %dma_start3A_11 = arith.constant 0 : i32
    %dma_start3A_12 = tpu.memref_slice %arg3[%dma_start3A_10, %mul3A_9, %dma_start3A_11] : memref<2x2560x125xi32, #tpu.memory_space<hbm>> -> memref<1x40x125xi32, #tpu.memory_space<hbm>>
    %dma_start3A_13 = tpu.memref_squeeze %dma_start3A_12 : memref<1x40x125xi32, #tpu.memory_space<hbm>> -> memref<40x125xi32, #tpu.memory_space<hbm>>
    %dma_start3A_14 = arith.constant 0 : i32
    %dma_start3A_15 = tpu.memref_slice %arg3[%dma_start3A_10, %mul3A_9, %dma_start3A_14] : memref<2x2560x125xi32, #tpu.memory_space<hbm>> -> memref<1x40x125xi32, #tpu.memory_space<hbm>>
    %dma_start3A_16 = tpu.memref_squeeze %dma_start3A_15 : memref<1x40x125xi32, #tpu.memory_space<hbm>> -> memref<40x125xi32, #tpu.memory_space<hbm>>
    tpu.enqueue_dma source(%dma_start3A_16 : memref<40x125xi32, #tpu.memory_space<hbm>>) target(%arg6 : memref<40x125xi32, #tpu.memory_space<vmem>>) target_semaphore(%arg14 : memref<!tpu.dma_semaphore, #tpu.memory_space<semaphore_mem>>)
    %mul3A_17 = arith.constant 80 : i32
    %mul3A_18 = arith.muli %add3A, %mul3A_17 : i32
    %dma_start3A_19 = arith.constant 1 : i32
    %dma_start3A_20 = arith.constant 0 : i32
    %dma_start3A_21 = tpu.memref_slice %arg3[%dma_start3A_19, %mul3A_18, %dma_start3A_20] : memref<2x2560x125xi32, #tpu.memory_space<hbm>> -> memref<1x40x125xi32, #tpu.memory_space<hbm>>
    %dma_start3A_22 = tpu.memref_squeeze %dma_start3A_21 : memref<1x40x125xi32, #tpu.memory_space<hbm>> -> memref<40x125xi32, #tpu.memory_space<hbm>>
    %dma_start3A_23 = arith.constant 0 : i32
    %dma_start3A_24 = tpu.memref_slice %arg3[%dma_start3A_19, %mul3A_18, %dma_start3A_23] : memref<2x2560x125xi32, #tpu.memory_space<hbm>> -> memref<1x40x125xi32, #tpu.memory_space<hbm>>
    %dma_start3A_25 = tpu.memref_squeeze %dma_start3A_24 : memref<1x40x125xi32, #tpu.memory_space<hbm>> -> memref<40x125xi32, #tpu.memory_space<hbm>>
    tpu.enqueue_dma source(%dma_start3A_25 : memref<40x125xi32, #tpu.memory_space<hbm>>) target(%arg7 : memref<40x125xi32, #tpu.memory_space<vmem>>) target_semaphore(%arg12 : memref<!tpu.dma_semaphore, #tpu.memory_space<semaphore_mem>>)
    %dma_wait3A = arith.constant 0 : i32
    %dma_wait3A_26 = arith.constant 0 : i32
    %dma_wait3A_27 = tpu.memref_slice %arg3[%dma_wait3A, %mul3A_9, %dma_wait3A_26] : memref<2x2560x125xi32, #tpu.memory_space<hbm>> -> memref<1x40x125xi32, #tpu.memory_space<hbm>>
    %dma_wait3A_28 = tpu.memref_squeeze %dma_wait3A_27 : memref<1x40x125xi32, #tpu.memory_space<hbm>> -> memref<40x125xi32, #tpu.memory_space<hbm>>
    %dma_wait3A_29 = arith.constant 0 : i32
    %dma_wait3A_30 = tpu.memref_slice %arg3[%dma_wait3A, %mul3A_9, %dma_wait3A_29] : memref<2x2560x125xi32, #tpu.memory_space<hbm>> -> memref<1x40x125xi32, #tpu.memory_space<hbm>>
    %dma_wait3A_31 = tpu.memref_squeeze %dma_wait3A_30 : memref<1x40x125xi32, #tpu.memory_space<hbm>> -> memref<40x125xi32, #tpu.memory_space<hbm>>
    tpu.wait_dma2 semaphore(%arg14 : memref<!tpu.dma_semaphore, #tpu.memory_space<semaphore_mem>>) src(%dma_wait3A_31 : memref<40x125xi32, #tpu.memory_space<hbm>>) dst(%arg6 : memref<40x125xi32, #tpu.memory_space<vmem>>)
    %dma_wait3A_32 = arith.constant 1 : i32
    %dma_wait3A_33 = arith.constant 0 : i32
    %dma_wait3A_34 = tpu.memref_slice %arg3[%dma_wait3A_32, %mul3A_18, %dma_wait3A_33] : memref<2x2560x125xi32, #tpu.memory_space<hbm>> -> memref<1x40x125xi32, #tpu.memory_space<hbm>>
    %dma_wait3A_35 = tpu.memref_squeeze %dma_wait3A_34 : memref<1x40x125xi32, #tpu.memory_space<hbm>> -> memref<40x125xi32, #tpu.memory_space<hbm>>
    %dma_wait3A_36 = arith.constant 0 : i32
    %dma_wait3A_37 = tpu.memref_slice %arg3[%dma_wait3A_32, %mul3A_18, %dma_wait3A_36] : memref<2x2560x125xi32, #tpu.memory_space<hbm>> -> memref<1x40x125xi32, #tpu.memory_space<hbm>>
    %dma_wait3A_38 = tpu.memref_squeeze %dma_wait3A_37 : memref<1x40x125xi32, #tpu.memory_space<hbm>> -> memref<40x125xi32, #tpu.memory_space<hbm>>
    tpu.wait_dma2 semaphore(%arg12 : memref<!tpu.dma_semaphore, #tpu.memory_space<semaphore_mem>>) src(%dma_wait3A_38 : memref<40x125xi32, #tpu.memory_space<hbm>>) dst(%arg7 : memref<40x125xi32, #tpu.memory_space<vmem>>)
    %dma_start3A_39 = arith.constant 0 : i32
    %dma_start3A_40 = arith.constant 0 : i32
    %dma_start3A_41 = tpu.memref_slice %arg6[%dma_start3A_39, %dma_start3A_40] : memref<40x125xi32, #tpu.memory_space<vmem>> -> memref<1x125xi32, #tpu.memory_space<vmem>>
    %dma_start3A_42 = tpu.memref_squeeze %dma_start3A_41 : memref<1x125xi32, #tpu.memory_space<vmem>> -> memref<125xi32, #tpu.memory_space<vmem>>
    %dma_start3A_43 = arith.constant 0 : i32
    %dma_start3A_44 = arith.constant 0 : i32
    %dma_start3A_45 = tpu.memref_slice %arg2[%dma_start3A_43, %dma_start3A_44] : memref<10000x128xf32, #tpu.memory_space<hbm>> -> memref<10000x128xf32, #tpu.memory_space<hbm>>
    tpu.enqueue_indirect_dma source(%dma_start3A_45 : memref<10000x128xf32, #tpu.memory_space<hbm>>) target(%arg8 : memref<125x128xf32, #tpu.memory_space<vmem>>) offsets(%dma_start3A_42 : memref<125xi32, #tpu.memory_space<vmem>>) semaphore(%arg11 : memref<!tpu.dma_semaphore, #tpu.memory_space<semaphore_mem>>)
    %dma_wait3A_46 = arith.constant 0 : i32
    %dma_wait3A_47 = tpu.memref_slice %arg10[%mul3A_4, %dma_wait3A_46] : memref<10112x128xf32, #tpu.memory_space<vmem_shared>> -> memref<632x128xf32, #tpu.memory_space<vmem_shared>>
    %dma_wait3A_48 = arith.constant 0 : i32
    %dma_wait3A_49 = tpu.memref_slice %arg4[%mul3A_2, %dma_wait3A_48] : memref<10112x128xf32, #tpu.memory_space<hbm>> -> memref<632x128xf32, #tpu.memory_space<hbm>>
    tpu.wait_dma2 semaphore(%arg13 : memref<!tpu.dma_semaphore, #tpu.memory_space<semaphore_mem>>) src(%dma_wait3A_49 : memref<632x128xf32, #tpu.memory_space<hbm>>) dst(%dma_wait3A_47 : memref<632x128xf32, #tpu.memory_space<vmem_shared>>)
    %barrier3A = arith.constant 0 : index
    tpu.barrier barrier_id(%barrier3A)
    %scan3A = arith.constant 0 : i32
    %scan3A_50 = arith.constant 20 : i32
    %scan3A_51 = arith.addi %scan3A, %scan3A_50 : i32
    %scan3A_52 = arith.constant 1 : i32
    scf.for %scan3A_80 = %scan3A to %scan3A_51 step %scan3A_52  : i32 {
      %mul3A_81 = arith.constant 2 : i32
      %mul3A_82 = arith.muli %scan3A_80, %mul3A_81 : i32
      %add3A_83 = arith.constant 0 : i32
      %add3A_84 = arith.addi %add3A_83, %mul3A_82 : i32
      %add3A_85 = arith.constant 0 : i32
      %add3A_86 = arith.addi %add3A_84, %add3A_85 : i32
      %dma_wait3A_87 = arith.constant 0 : i32
      %dma_wait3A_88 = tpu.memref_slice %arg6[%add3A_86, %dma_wait3A_87] : memref<40x125xi32, #tpu.memory_space<vmem>> -> memref<1x125xi32, #tpu.memory_space<vmem>>
      %dma_wait3A_89 = tpu.memref_squeeze %dma_wait3A_88 : memref<1x125xi32, #tpu.memory_space<vmem>> -> memref<125xi32, #tpu.memory_space<vmem>>
      %dma_wait3A_90 = arith.constant 0 : i32
      %dma_wait3A_91 = arith.constant 0 : i32
      %dma_wait3A_92 = tpu.memref_slice %arg2[%dma_wait3A_90, %dma_wait3A_91] : memref<10000x128xf32, #tpu.memory_space<hbm>> -> memref<10000x128xf32, #tpu.memory_space<hbm>>
      tpu.wait_indirect_dma semaphore(%arg11 : memref<!tpu.dma_semaphore, #tpu.memory_space<semaphore_mem>>) src(%dma_wait3A_92 : memref<10000x128xf32, #tpu.memory_space<hbm>>) dst(%arg8 : memref<125x128xf32, #tpu.memory_space<vmem>>)
      %add3A_93 = arith.constant 1 : i32
      %add3A_94 = arith.addi %add3A_86, %add3A_93 : i32
      %lt3A = arith.constant 40 : i32
      %lt3A_95 = arith.cmpi slt, %add3A_94, %lt3A : i32
      %convert_element_type3A = arith.extui %lt3A_95 : i1 to i32
      %cond3A = arith.constant 0 : i32
      %cond3A_96 = arith.cmpi ne, %convert_element_type3A, %cond3A : i32
      scf.if %cond3A_96 {
        %dma_start3A_112 = arith.constant 0 : i32
        %dma_start3A_113 = tpu.memref_slice %arg6[%add3A_94, %dma_start3A_112] : memref<40x125xi32, #tpu.memory_space<vmem>> -> memref<1x125xi32, #tpu.memory_space<vmem>>
        %dma_start3A_114 = tpu.memref_squeeze %dma_start3A_113 : memref<1x125xi32, #tpu.memory_space<vmem>> -> memref<125xi32, #tpu.memory_space<vmem>>
        %dma_start3A_115 = arith.constant 0 : i32
        %dma_start3A_116 = arith.constant 0 : i32
        %dma_start3A_117 = tpu.memref_slice %arg2[%dma_start3A_115, %dma_start3A_116] : memref<10000x128xf32, #tpu.memory_space<hbm>> -> memref<10000x128xf32, #tpu.memory_space<hbm>>
        tpu.enqueue_indirect_dma source(%dma_start3A_117 : memref<10000x128xf32, #tpu.memory_space<hbm>>) target(%arg9 : memref<125x128xf32, #tpu.memory_space<vmem>>) offsets(%dma_start3A_114 : memref<125xi32, #tpu.memory_space<vmem>>) semaphore(%arg12 : memref<!tpu.dma_semaphore, #tpu.memory_space<semaphore_mem>>)
      } else {
      }
      "tpu.region"() ({
        %run_scoped3A_112 = tpu.sem_alloc : memref<!tpu.dma_semaphore, #tpu.memory_space<semaphore_mem>>
        %dma_start3A_113 = arith.constant 0 : i32
        %dma_start3A_114 = tpu.memref_slice %arg7[%add3A_86, %dma_start3A_113] : memref<40x125xi32, #tpu.memory_space<vmem>> -> memref<1x125xi32, #tpu.memory_space<vmem>>
        %dma_start3A_115 = tpu.memref_squeeze %dma_start3A_114 : memref<1x125xi32, #tpu.memory_space<vmem>> -> memref<125xi32, #tpu.memory_space<vmem>>
        %dma_start3A_116 = arith.constant 0 : i32
        %dma_start3A_117 = arith.constant 0 : i32
        %dma_start3A_118 = tpu.memref_slice %arg10[%dma_start3A_116, %dma_start3A_117] : memref<10112x128xf32, #tpu.memory_space<vmem_shared>> -> memref<10112x128xf32, #tpu.memory_space<vmem_shared>>
        tpu.enqueue_indirect_dma source(%arg8 : memref<125x128xf32, #tpu.memory_space<vmem>>) target(%dma_start3A_118 : memref<10112x128xf32, #tpu.memory_space<vmem_shared>>) offsets(%dma_start3A_115 : memref<125xi32, #tpu.memory_space<vmem>>) semaphore(%run_scoped3A_112 : memref<!tpu.dma_semaphore, #tpu.memory_space<semaphore_mem>>) {add = true}
        %dma_wait3A_119 = arith.constant 0 : i32
        %dma_wait3A_120 = tpu.memref_slice %arg7[%add3A_86, %dma_wait3A_119] : memref<40x125xi32, #tpu.memory_space<vmem>> -> memref<1x125xi32, #tpu.memory_space<vmem>>
        %dma_wait3A_121 = tpu.memref_squeeze %dma_wait3A_120 : memref<1x125xi32, #tpu.memory_space<vmem>> -> memref<125xi32, #tpu.memory_space<vmem>>
        %dma_wait3A_122 = arith.constant 0 : i32
        %dma_wait3A_123 = arith.constant 0 : i32
        %dma_wait3A_124 = tpu.memref_slice %arg10[%dma_wait3A_122, %dma_wait3A_123] : memref<10112x128xf32, #tpu.memory_space<vmem_shared>> -> memref<10112x128xf32, #tpu.memory_space<vmem_shared>>
        tpu.wait_indirect_dma semaphore(%run_scoped3A_112 : memref<!tpu.dma_semaphore, #tpu.memory_space<semaphore_mem>>) src(%arg8 : memref<125x128xf32, #tpu.memory_space<vmem>>) dst(%dma_wait3A_124 : memref<10112x128xf32, #tpu.memory_space<vmem_shared>>)
        tpu.yield
      }) : () -> ()
      %add3A_97 = arith.constant 1 : i32
      %add3A_98 = arith.addi %add3A_84, %add3A_97 : i32
      %dma_wait3A_99 = arith.constant 0 : i32
      %dma_wait3A_100 = tpu.memref_slice %arg6[%add3A_98, %dma_wait3A_99] : memref<40x125xi32, #tpu.memory_space<vmem>> -> memref<1x125xi32, #tpu.memory_space<vmem>>
      %dma_wait3A_101 = tpu.memref_squeeze %dma_wait3A_100 : memref<1x125xi32, #tpu.memory_space<vmem>> -> memref<125xi32, #tpu.memory_space<vmem>>
      %dma_wait3A_102 = arith.constant 0 : i32
      %dma_wait3A_103 = arith.constant 0 : i32
      %dma_wait3A_104 = tpu.memref_slice %arg2[%dma_wait3A_102, %dma_wait3A_103] : memref<10000x128xf32, #tpu.memory_space<hbm>> -> memref<10000x128xf32, #tpu.memory_space<hbm>>
      tpu.wait_indirect_dma semaphore(%arg12 : memref<!tpu.dma_semaphore, #tpu.memory_space<semaphore_mem>>) src(%dma_wait3A_104 : memref<10000x128xf32, #tpu.memory_space<hbm>>) dst(%arg9 : memref<125x128xf32, #tpu.memory_space<vmem>>)
      %add3A_105 = arith.constant 1 : i32
      %add3A_106 = arith.addi %add3A_98, %add3A_105 : i32
      %lt3A_107 = arith.constant 40 : i32
      %lt3A_108 = arith.cmpi slt, %add3A_106, %lt3A_107 : i32
      %convert_element_type3A_109 = arith.extui %lt3A_108 : i1 to i32
      %cond3A_110 = arith.constant 0 : i32
      %cond3A_111 = arith.cmpi ne, %convert_element_type3A_109, %cond3A_110 : i32
      scf.if %cond3A_111 {
        %dma_start3A_112 = arith.constant 0 : i32
        %dma_start3A_113 = tpu.memref_slice %arg6[%add3A_106, %dma_start3A_112] : memref<40x125xi32, #tpu.memory_space<vmem>> -> memref<1x125xi32, #tpu.memory_space<vmem>>
        %dma_start3A_114 = tpu.memref_squeeze %dma_start3A_113 : memref<1x125xi32, #tpu.memory_space<vmem>> -> memref<125xi32, #tpu.memory_space<vmem>>
        %dma_start3A_115 = arith.constant 0 : i32
        %dma_start3A_116 = arith.constant 0 : i32
        %dma_start3A_117 = tpu.memref_slice %arg2[%dma_start3A_115, %dma_start3A_116] : memref<10000x128xf32, #tpu.memory_space<hbm>> -> memref<10000x128xf32, #tpu.memory_space<hbm>>
        tpu.enqueue_indirect_dma source(%dma_start3A_117 : memref<10000x128xf32, #tpu.memory_space<hbm>>) target(%arg8 : memref<125x128xf32, #tpu.memory_space<vmem>>) offsets(%dma_start3A_114 : memref<125xi32, #tpu.memory_space<vmem>>) semaphore(%arg11 : memref<!tpu.dma_semaphore, #tpu.memory_space<semaphore_mem>>)
      } else {
      }
      "tpu.region"() ({
        %run_scoped3A_112 = tpu.sem_alloc : memref<!tpu.dma_semaphore, #tpu.memory_space<semaphore_mem>>
        %dma_start3A_113 = arith.constant 0 : i32
        %dma_start3A_114 = tpu.memref_slice %arg7[%add3A_98, %dma_start3A_113] : memref<40x125xi32, #tpu.memory_space<vmem>> -> memref<1x125xi32, #tpu.memory_space<vmem>>
        %dma_start3A_115 = tpu.memref_squeeze %dma_start3A_114 : memref<1x125xi32, #tpu.memory_space<vmem>> -> memref<125xi32, #tpu.memory_space<vmem>>
        %dma_start3A_116 = arith.constant 0 : i32
        %dma_start3A_117 = arith.constant 0 : i32
        %dma_start3A_118 = tpu.memref_slice %arg10[%dma_start3A_116, %dma_start3A_117] : memref<10112x128xf32, #tpu.memory_space<vmem_shared>> -> memref<10112x128xf32, #tpu.memory_space<vmem_shared>>
        tpu.enqueue_indirect_dma source(%arg9 : memref<125x128xf32, #tpu.memory_space<vmem>>) target(%dma_start3A_118 : memref<10112x128xf32, #tpu.memory_space<vmem_shared>>) offsets(%dma_start3A_115 : memref<125xi32, #tpu.memory_space<vmem>>) semaphore(%run_scoped3A_112 : memref<!tpu.dma_semaphore, #tpu.memory_space<semaphore_mem>>) {add = true}
        %dma_wait3A_119 = arith.constant 0 : i32
        %dma_wait3A_120 = tpu.memref_slice %arg7[%add3A_98, %dma_wait3A_119] : memref<40x125xi32, #tpu.memory_space<vmem>> -> memref<1x125xi32, #tpu.memory_space<vmem>>
        %dma_wait3A_121 = tpu.memref_squeeze %dma_wait3A_120 : memref<1x125xi32, #tpu.memory_space<vmem>> -> memref<125xi32, #tpu.memory_space<vmem>>
        %dma_wait3A_122 = arith.constant 0 : i32
        %dma_wait3A_123 = arith.constant 0 : i32
        %dma_wait3A_124 = tpu.memref_slice %arg10[%dma_wait3A_122, %dma_wait3A_123] : memref<10112x128xf32, #tpu.memory_space<vmem_shared>> -> memref<10112x128xf32, #tpu.memory_space<vmem_shared>>
        tpu.wait_indirect_dma semaphore(%run_scoped3A_112 : memref<!tpu.dma_semaphore, #tpu.memory_space<semaphore_mem>>) src(%arg9 : memref<125x128xf32, #tpu.memory_space<vmem>>) dst(%dma_wait3A_124 : memref<10112x128xf32, #tpu.memory_space<vmem_shared>>)
        tpu.yield
      }) : () -> ()
    }
    %scan3A_53 = arith.constant 20 : i32
    %mul3A_54 = arith.constant 80 : i32
    %mul3A_55 = arith.muli %add3A, %mul3A_54 : i32
    %add3A_56 = arith.constant 40 : i32
    %add3A_57 = arith.addi %mul3A_55, %add3A_56 : i32
    %run_scoped3A = arith.constant 0 : i32
    "tpu.region"() ({
      %run_scoped3A_80 = tpu.sem_alloc : memref<!tpu.dma_semaphore, #tpu.memory_space<semaphore_mem>>
      %dma_start3A_81 = arith.constant 0 : i32
      %dma_start3A_82 = tpu.memref_slice %arg3[%run_scoped3A, %add3A_57, %dma_start3A_81] : memref<2x2560x125xi32, #tpu.memory_space<hbm>> -> memref<1x40x125xi32, #tpu.memory_space<hbm>>
      %dma_start3A_83 = tpu.memref_squeeze %dma_start3A_82 : memref<1x40x125xi32, #tpu.memory_space<hbm>> -> memref<40x125xi32, #tpu.memory_space<hbm>>
      %dma_start3A_84 = arith.constant 0 : i32
      %dma_start3A_85 = tpu.memref_slice %arg3[%run_scoped3A, %add3A_57, %dma_start3A_84] : memref<2x2560x125xi32, #tpu.memory_space<hbm>> -> memref<1x40x125xi32, #tpu.memory_space<hbm>>
      %dma_start3A_86 = tpu.memref_squeeze %dma_start3A_85 : memref<1x40x125xi32, #tpu.memory_space<hbm>> -> memref<40x125xi32, #tpu.memory_space<hbm>>
      tpu.enqueue_dma source(%dma_start3A_86 : memref<40x125xi32, #tpu.memory_space<hbm>>) target(%arg6 : memref<40x125xi32, #tpu.memory_space<vmem>>) target_semaphore(%run_scoped3A_80 : memref<!tpu.dma_semaphore, #tpu.memory_space<semaphore_mem>>)
      %dma_wait3A_87 = arith.constant 0 : i32
      %dma_wait3A_88 = tpu.memref_slice %arg3[%run_scoped3A, %add3A_57, %dma_wait3A_87] : memref<2x2560x125xi32, #tpu.memory_space<hbm>> -> memref<1x40x125xi32, #tpu.memory_space<hbm>>
      %dma_wait3A_89 = tpu.memref_squeeze %dma_wait3A_88 : memref<1x40x125xi32, #tpu.memory_space<hbm>> -> memref<40x125xi32, #tpu.memory_space<hbm>>
      %dma_wait3A_90 = arith.constant 0 : i32
      %dma_wait3A_91 = tpu.memref_slice %arg3[%run_scoped3A, %add3A_57, %dma_wait3A_90] : memref<2x2560x125xi32, #tpu.memory_space<hbm>> -> memref<1x40x125xi32, #tpu.memory_space<hbm>>
      %dma_wait3A_92 = tpu.memref_squeeze %dma_wait3A_91 : memref<1x40x125xi32, #tpu.memory_space<hbm>> -> memref<40x125xi32, #tpu.memory_space<hbm>>
      tpu.wait_dma2 semaphore(%run_scoped3A_80 : memref<!tpu.dma_semaphore, #tpu.memory_space<semaphore_mem>>) src(%dma_wait3A_92 : memref<40x125xi32, #tpu.memory_space<hbm>>) dst(%arg6 : memref<40x125xi32, #tpu.memory_space<vmem>>)
      tpu.yield
    }) : () -> ()
    %mul3A_58 = arith.constant 80 : i32
    %mul3A_59 = arith.muli %add3A, %mul3A_58 : i32
    %add3A_60 = arith.constant 40 : i32
    %add3A_61 = arith.addi %mul3A_59, %add3A_60 : i32
    %run_scoped3A_62 = arith.constant 1 : i32
    "tpu.region"() ({
      %run_scoped3A_80 = tpu.sem_alloc : memref<!tpu.dma_semaphore, #tpu.memory_space<semaphore_mem>>
      %dma_start3A_81 = arith.constant 0 : i32
      %dma_start3A_82 = tpu.memref_slice %arg3[%run_scoped3A_62, %add3A_61, %dma_start3A_81] : memref<2x2560x125xi32, #tpu.memory_space<hbm>> -> memref<1x40x125xi32, #tpu.memory_space<hbm>>
      %dma_start3A_83 = tpu.memref_squeeze %dma_start3A_82 : memref<1x40x125xi32, #tpu.memory_space<hbm>> -> memref<40x125xi32, #tpu.memory_space<hbm>>
      %dma_start3A_84 = arith.constant 0 : i32
      %dma_start3A_85 = tpu.memref_slice %arg3[%run_scoped3A_62, %add3A_61, %dma_start3A_84] : memref<2x2560x125xi32, #tpu.memory_space<hbm>> -> memref<1x40x125xi32, #tpu.memory_space<hbm>>
      %dma_start3A_86 = tpu.memref_squeeze %dma_start3A_85 : memref<1x40x125xi32, #tpu.memory_space<hbm>> -> memref<40x125xi32, #tpu.memory_space<hbm>>
      tpu.enqueue_dma source(%dma_start3A_86 : memref<40x125xi32, #tpu.memory_space<hbm>>) target(%arg7 : memref<40x125xi32, #tpu.memory_space<vmem>>) target_semaphore(%run_scoped3A_80 : memref<!tpu.dma_semaphore, #tpu.memory_space<semaphore_mem>>)
      %dma_wait3A_87 = arith.constant 0 : i32
      %dma_wait3A_88 = tpu.memref_slice %arg3[%run_scoped3A_62, %add3A_61, %dma_wait3A_87] : memref<2x2560x125xi32, #tpu.memory_space<hbm>> -> memref<1x40x125xi32, #tpu.memory_space<hbm>>
      %dma_wait3A_89 = tpu.memref_squeeze %dma_wait3A_88 : memref<1x40x125xi32, #tpu.memory_space<hbm>> -> memref<40x125xi32, #tpu.memory_space<hbm>>
      %dma_wait3A_90 = arith.constant 0 : i32
      %dma_wait3A_91 = tpu.memref_slice %arg3[%run_scoped3A_62, %add3A_61, %dma_wait3A_90] : memref<2x2560x125xi32, #tpu.memory_space<hbm>> -> memref<1x40x125xi32, #tpu.memory_space<hbm>>
      %dma_wait3A_92 = tpu.memref_squeeze %dma_wait3A_91 : memref<1x40x125xi32, #tpu.memory_space<hbm>> -> memref<40x125xi32, #tpu.memory_space<hbm>>
      tpu.wait_dma2 semaphore(%run_scoped3A_80 : memref<!tpu.dma_semaphore, #tpu.memory_space<semaphore_mem>>) src(%dma_wait3A_92 : memref<40x125xi32, #tpu.memory_space<hbm>>) dst(%arg7 : memref<40x125xi32, #tpu.memory_space<vmem>>)
      tpu.yield
    }) : () -> ()
    %dma_start3A_63 = arith.constant 0 : i32
    %dma_start3A_64 = arith.constant 0 : i32
    %dma_start3A_65 = tpu.memref_slice %arg6[%dma_start3A_63, %dma_start3A_64] : memref<40x125xi32, #tpu.memory_space<vmem>> -> memref<1x125xi32, #tpu.memory_space<vmem>>
    %dma_start3A_66 = tpu.memref_squeeze %dma_start3A_65 : memref<1x125xi32, #tpu.memory_space<vmem>> -> memref<125xi32, #tpu.memory_space<vmem>>
    %dma_start3A_67 = arith.constant 0 : i32
    %dma_start3A_68 = arith.constant 0 : i32
    %dma_start3A_69 = tpu.memref_slice %arg2[%dma_start3A_67, %dma_start3A_68] : memref<10000x128xf32, #tpu.memory_space<hbm>> -> memref<10000x128xf32, #tpu.memory_space<hbm>>
    tpu.enqueue_indirect_dma source(%dma_start3A_69 : memref<10000x128xf32, #tpu.memory_space<hbm>>) target(%arg8 : memref<125x128xf32, #tpu.memory_space<vmem>>) offsets(%dma_start3A_66 : memref<125xi32, #tpu.memory_space<vmem>>) semaphore(%arg11 : memref<!tpu.dma_semaphore, #tpu.memory_space<semaphore_mem>>)
    %scan3A_70 = arith.constant 0 : i32
    %scan3A_71 = arith.constant 20 : i32
    %scan3A_72 = arith.addi %scan3A_70, %scan3A_71 : i32
    %scan3A_73 = arith.constant 1 : i32
    scf.for %scan3A_80 = %scan3A_70 to %scan3A_72 step %scan3A_73  : i32 {
      %mul3A_81 = arith.constant 2 : i32
      %mul3A_82 = arith.muli %scan3A_80, %mul3A_81 : i32
      %add3A_83 = arith.constant 0 : i32
      %add3A_84 = arith.addi %add3A_83, %mul3A_82 : i32
      %add3A_85 = arith.constant 0 : i32
      %add3A_86 = arith.addi %add3A_84, %add3A_85 : i32
      %dma_wait3A_87 = arith.constant 0 : i32
      %dma_wait3A_88 = tpu.memref_slice %arg6[%add3A_86, %dma_wait3A_87] : memref<40x125xi32, #tpu.memory_space<vmem>> -> memref<1x125xi32, #tpu.memory_space<vmem>>
      %dma_wait3A_89 = tpu.memref_squeeze %dma_wait3A_88 : memref<1x125xi32, #tpu.memory_space<vmem>> -> memref<125xi32, #tpu.memory_space<vmem>>
      %dma_wait3A_90 = arith.constant 0 : i32
      %dma_wait3A_91 = arith.constant 0 : i32
      %dma_wait3A_92 = tpu.memref_slice %arg2[%dma_wait3A_90, %dma_wait3A_91] : memref<10000x128xf32, #tpu.memory_space<hbm>> -> memref<10000x128xf32, #tpu.memory_space<hbm>>
      tpu.wait_indirect_dma semaphore(%arg11 : memref<!tpu.dma_semaphore, #tpu.memory_space<semaphore_mem>>) src(%dma_wait3A_92 : memref<10000x128xf32, #tpu.memory_space<hbm>>) dst(%arg8 : memref<125x128xf32, #tpu.memory_space<vmem>>)
      %add3A_93 = arith.constant 1 : i32
      %add3A_94 = arith.addi %add3A_86, %add3A_93 : i32
      %lt3A = arith.constant 40 : i32
      %lt3A_95 = arith.cmpi slt, %add3A_94, %lt3A : i32
      %convert_element_type3A = arith.extui %lt3A_95 : i1 to i32
      %cond3A = arith.constant 0 : i32
      %cond3A_96 = arith.cmpi ne, %convert_element_type3A, %cond3A : i32
      scf.if %cond3A_96 {
        %dma_start3A_112 = arith.constant 0 : i32
        %dma_start3A_113 = tpu.memref_slice %arg6[%add3A_94, %dma_start3A_112] : memref<40x125xi32, #tpu.memory_space<vmem>> -> memref<1x125xi32, #tpu.memory_space<vmem>>
        %dma_start3A_114 = tpu.memref_squeeze %dma_start3A_113 : memref<1x125xi32, #tpu.memory_space<vmem>> -> memref<125xi32, #tpu.memory_space<vmem>>
        %dma_start3A_115 = arith.constant 0 : i32
        %dma_start3A_116 = arith.constant 0 : i32
        %dma_start3A_117 = tpu.memref_slice %arg2[%dma_start3A_115, %dma_start3A_116] : memref<10000x128xf32, #tpu.memory_space<hbm>> -> memref<10000x128xf32, #tpu.memory_space<hbm>>
        tpu.enqueue_indirect_dma source(%dma_start3A_117 : memref<10000x128xf32, #tpu.memory_space<hbm>>) target(%arg9 : memref<125x128xf32, #tpu.memory_space<vmem>>) offsets(%dma_start3A_114 : memref<125xi32, #tpu.memory_space<vmem>>) semaphore(%arg12 : memref<!tpu.dma_semaphore, #tpu.memory_space<semaphore_mem>>)
      } else {
      }
      "tpu.region"() ({
        %run_scoped3A_112 = tpu.sem_alloc : memref<!tpu.dma_semaphore, #tpu.memory_space<semaphore_mem>>
        %dma_start3A_113 = arith.constant 0 : i32
        %dma_start3A_114 = tpu.memref_slice %arg7[%add3A_86, %dma_start3A_113] : memref<40x125xi32, #tpu.memory_space<vmem>> -> memref<1x125xi32, #tpu.memory_space<vmem>>
        %dma_start3A_115 = tpu.memref_squeeze %dma_start3A_114 : memref<1x125xi32, #tpu.memory_space<vmem>> -> memref<125xi32, #tpu.memory_space<vmem>>
        %dma_start3A_116 = arith.constant 0 : i32
        %dma_start3A_117 = arith.constant 0 : i32
        %dma_start3A_118 = tpu.memref_slice %arg10[%dma_start3A_116, %dma_start3A_117] : memref<10112x128xf32, #tpu.memory_space<vmem_shared>> -> memref<10112x128xf32, #tpu.memory_space<vmem_shared>>
        tpu.enqueue_indirect_dma source(%arg8 : memref<125x128xf32, #tpu.memory_space<vmem>>) target(%dma_start3A_118 : memref<10112x128xf32, #tpu.memory_space<vmem_shared>>) offsets(%dma_start3A_115 : memref<125xi32, #tpu.memory_space<vmem>>) semaphore(%run_scoped3A_112 : memref<!tpu.dma_semaphore, #tpu.memory_space<semaphore_mem>>) {add = true}
        %dma_wait3A_119 = arith.constant 0 : i32
        %dma_wait3A_120 = tpu.memref_slice %arg7[%add3A_86, %dma_wait3A_119] : memref<40x125xi32, #tpu.memory_space<vmem>> -> memref<1x125xi32, #tpu.memory_space<vmem>>
        %dma_wait3A_121 = tpu.memref_squeeze %dma_wait3A_120 : memref<1x125xi32, #tpu.memory_space<vmem>> -> memref<125xi32, #tpu.memory_space<vmem>>
        %dma_wait3A_122 = arith.constant 0 : i32
        %dma_wait3A_123 = arith.constant 0 : i32
        %dma_wait3A_124 = tpu.memref_slice %arg10[%dma_wait3A_122, %dma_wait3A_123] : memref<10112x128xf32, #tpu.memory_space<vmem_shared>> -> memref<10112x128xf32, #tpu.memory_space<vmem_shared>>
        tpu.wait_indirect_dma semaphore(%run_scoped3A_112 : memref<!tpu.dma_semaphore, #tpu.memory_space<semaphore_mem>>) src(%arg8 : memref<125x128xf32, #tpu.memory_space<vmem>>) dst(%dma_wait3A_124 : memref<10112x128xf32, #tpu.memory_space<vmem_shared>>)
        tpu.yield
      }) : () -> ()
      %add3A_97 = arith.constant 1 : i32
      %add3A_98 = arith.addi %add3A_84, %add3A_97 : i32
      %dma_wait3A_99 = arith.constant 0 : i32
      %dma_wait3A_100 = tpu.memref_slice %arg6[%add3A_98, %dma_wait3A_99] : memref<40x125xi32, #tpu.memory_space<vmem>> -> memref<1x125xi32, #tpu.memory_space<vmem>>
      %dma_wait3A_101 = tpu.memref_squeeze %dma_wait3A_100 : memref<1x125xi32, #tpu.memory_space<vmem>> -> memref<125xi32, #tpu.memory_space<vmem>>
      %dma_wait3A_102 = arith.constant 0 : i32
      %dma_wait3A_103 = arith.constant 0 : i32
      %dma_wait3A_104 = tpu.memref_slice %arg2[%dma_wait3A_102, %dma_wait3A_103] : memref<10000x128xf32, #tpu.memory_space<hbm>> -> memref<10000x128xf32, #tpu.memory_space<hbm>>
      tpu.wait_indirect_dma semaphore(%arg12 : memref<!tpu.dma_semaphore, #tpu.memory_space<semaphore_mem>>) src(%dma_wait3A_104 : memref<10000x128xf32, #tpu.memory_space<hbm>>) dst(%arg9 : memref<125x128xf32, #tpu.memory_space<vmem>>)
      %add3A_105 = arith.constant 1 : i32
      %add3A_106 = arith.addi %add3A_98, %add3A_105 : i32
      %lt3A_107 = arith.constant 40 : i32
      %lt3A_108 = arith.cmpi slt, %add3A_106, %lt3A_107 : i32
      %convert_element_type3A_109 = arith.extui %lt3A_108 : i1 to i32
      %cond3A_110 = arith.constant 0 : i32
      %cond3A_111 = arith.cmpi ne, %convert_element_type3A_109, %cond3A_110 : i32
      scf.if %cond3A_111 {
        %dma_start3A_112 = arith.constant 0 : i32
        %dma_start3A_113 = tpu.memref_slice %arg6[%add3A_106, %dma_start3A_112] : memref<40x125xi32, #tpu.memory_space<vmem>> -> memref<1x125xi32, #tpu.memory_space<vmem>>
        %dma_start3A_114 = tpu.memref_squeeze %dma_start3A_113 : memref<1x125xi32, #tpu.memory_space<vmem>> -> memref<125xi32, #tpu.memory_space<vmem>>
        %dma_start3A_115 = arith.constant 0 : i32
        %dma_start3A_116 = arith.constant 0 : i32
        %dma_start3A_117 = tpu.memref_slice %arg2[%dma_start3A_115, %dma_start3A_116] : memref<10000x128xf32, #tpu.memory_space<hbm>> -> memref<10000x128xf32, #tpu.memory_space<hbm>>
        tpu.enqueue_indirect_dma source(%dma_start3A_117 : memref<10000x128xf32, #tpu.memory_space<hbm>>) target(%arg8 : memref<125x128xf32, #tpu.memory_space<vmem>>) offsets(%dma_start3A_114 : memref<125xi32, #tpu.memory_space<vmem>>) semaphore(%arg11 : memref<!tpu.dma_semaphore, #tpu.memory_space<semaphore_mem>>)
      } else {
      }
      "tpu.region"() ({
        %run_scoped3A_112 = tpu.sem_alloc : memref<!tpu.dma_semaphore, #tpu.memory_space<semaphore_mem>>
        %dma_start3A_113 = arith.constant 0 : i32
        %dma_start3A_114 = tpu.memref_slice %arg7[%add3A_98, %dma_start3A_113] : memref<40x125xi32, #tpu.memory_space<vmem>> -> memref<1x125xi32, #tpu.memory_space<vmem>>
        %dma_start3A_115 = tpu.memref_squeeze %dma_start3A_114 : memref<1x125xi32, #tpu.memory_space<vmem>> -> memref<125xi32, #tpu.memory_space<vmem>>
        %dma_start3A_116 = arith.constant 0 : i32
        %dma_start3A_117 = arith.constant 0 : i32
        %dma_start3A_118 = tpu.memref_slice %arg10[%dma_start3A_116, %dma_start3A_117] : memref<10112x128xf32, #tpu.memory_space<vmem_shared>> -> memref<10112x128xf32, #tpu.memory_space<vmem_shared>>
        tpu.enqueue_indirect_dma source(%arg9 : memref<125x128xf32, #tpu.memory_space<vmem>>) target(%dma_start3A_118 : memref<10112x128xf32, #tpu.memory_space<vmem_shared>>) offsets(%dma_start3A_115 : memref<125xi32, #tpu.memory_space<vmem>>) semaphore(%run_scoped3A_112 : memref<!tpu.dma_semaphore, #tpu.memory_space<semaphore_mem>>) {add = true}
        %dma_wait3A_119 = arith.constant 0 : i32
        %dma_wait3A_120 = tpu.memref_slice %arg7[%add3A_98, %dma_wait3A_119] : memref<40x125xi32, #tpu.memory_space<vmem>> -> memref<1x125xi32, #tpu.memory_space<vmem>>
        %dma_wait3A_121 = tpu.memref_squeeze %dma_wait3A_120 : memref<1x125xi32, #tpu.memory_space<vmem>> -> memref<125xi32, #tpu.memory_space<vmem>>
        %dma_wait3A_122 = arith.constant 0 : i32
        %dma_wait3A_123 = arith.constant 0 : i32
        %dma_wait3A_124 = tpu.memref_slice %arg10[%dma_wait3A_122, %dma_wait3A_123] : memref<10112x128xf32, #tpu.memory_space<vmem_shared>> -> memref<10112x128xf32, #tpu.memory_space<vmem_shared>>
        tpu.wait_indirect_dma semaphore(%run_scoped3A_112 : memref<!tpu.dma_semaphore, #tpu.memory_space<semaphore_mem>>) src(%arg9 : memref<125x128xf32, #tpu.memory_space<vmem>>) dst(%dma_wait3A_124 : memref<10112x128xf32, #tpu.memory_space<vmem_shared>>)
        tpu.yield
      }) : () -> ()
    }
    %scan3A_74 = arith.constant 20 : i32
    %barrier3A_75 = arith.constant 0 : index
    tpu.barrier barrier_id(%barrier3A_75)
    %mul3A_76 = arith.constant 632 : i32
    %mul3A_77 = arith.muli %arg1, %mul3A_76 : i32
    %mul3A_78 = arith.constant 632 : i32
    %mul3A_79 = arith.muli %arg1, %mul3A_78 : i32
    "tpu.region"() ({
      %run_scoped3A_80 = tpu.sem_alloc : memref<!tpu.dma_semaphore, #tpu.memory_space<semaphore_mem>>
      %dma_start3A_81 = arith.constant 0 : i32
      %dma_start3A_82 = tpu.memref_slice %arg5[%arg0, %mul3A_79, %dma_start3A_81] : memref<2x10112x128xf32, #tpu.memory_space<hbm>> -> memref<1x632x128xf32, #tpu.memory_space<hbm>>
      %dma_start3A_83 = tpu.memref_squeeze %dma_start3A_82 : memref<1x632x128xf32, #tpu.memory_space<hbm>> -> memref<632x128xf32, #tpu.memory_space<hbm>>
      %dma_start3A_84 = arith.constant 0 : i32
      %dma_start3A_85 = tpu.memref_slice %arg10[%mul3A_77, %dma_start3A_84] : memref<10112x128xf32, #tpu.memory_space<vmem_shared>> -> memref<632x128xf32, #tpu.memory_space<vmem_shared>>
      tpu.enqueue_dma source(%dma_start3A_85 : memref<632x128xf32, #tpu.memory_space<vmem_shared>>) target(%dma_start3A_83 : memref<632x128xf32, #tpu.memory_space<hbm>>) target_semaphore(%run_scoped3A_80 : memref<!tpu.dma_semaphore, #tpu.memory_space<semaphore_mem>>)
      %dma_wait3A_86 = arith.constant 0 : i32
      %dma_wait3A_87 = tpu.memref_slice %arg5[%arg0, %mul3A_79, %dma_wait3A_86] : memref<2x10112x128xf32, #tpu.memory_space<hbm>> -> memref<1x632x128xf32, #tpu.memory_space<hbm>>
      %dma_wait3A_88 = tpu.memref_squeeze %dma_wait3A_87 : memref<1x632x128xf32, #tpu.memory_space<hbm>> -> memref<632x128xf32, #tpu.memory_space<hbm>>
      %dma_wait3A_89 = arith.constant 0 : i32
      %dma_wait3A_90 = tpu.memref_slice %arg10[%mul3A_77, %dma_wait3A_89] : memref<10112x128xf32, #tpu.memory_space<vmem_shared>> -> memref<632x128xf32, #tpu.memory_space<vmem_shared>>
      tpu.wait_dma2 semaphore(%run_scoped3A_80 : memref<!tpu.dma_semaphore, #tpu.memory_space<semaphore_mem>>) src(%dma_wait3A_90 : memref<632x128xf32, #tpu.memory_space<vmem_shared>>) dst(%dma_wait3A_88 : memref<632x128xf32, #tpu.memory_space<hbm>>)
      tpu.yield
    }) : () -> ()
    return
  }
}

module attributes {stable_mosaic.version = 14 : i64} {
  func.func @_layer_body(%arg0: i32, %arg1: memref<2000x128xf32, #tpu.memory_space<vmem>>, %arg2: memref<2x2000x128xf32, #tpu.memory_space<vmem>>, %arg3: memref<128x128xf32, #tpu.memory_space<vmem>>, %arg4: memref<1x128xf32, #tpu.memory_space<vmem>>, %arg5: memref<2000x128xf32, #tpu.memory_space<vmem>>) attributes {dimension_semantics = [#tpu.dimension_semantics<arbitrary>], iteration_bounds = array<i64: 5>, scalar_prefetch = 0 : i64, scratch_operands = 0 : i64, tpu.core_type = #tpu.core_type<tc>, window_params = [{transform_indices = @transform_0, window_bounds = array<i64: 2000, 128>}, {transform_indices = @transform_1, window_bounds = array<i64: 2, 2000, 128>}, {pipeline_mode = #tpu.pipeline_mode<synchronous>, transform_indices = @transform_2, window_bounds = array<i64: 128, 128>}, {pipeline_mode = #tpu.pipeline_mode<synchronous>, transform_indices = @transform_3, window_bounds = array<i64: 1, 128>}, {transform_indices = @transform_4, window_bounds = array<i64: 2000, 128>}]} {
    %get3A = arith.constant 0 : index
    %get3A_0 = arith.constant 0 : index
    %get3A_1 = vector.load %arg1[%get3A, %get3A_0] : memref<2000x128xf32, #tpu.memory_space<vmem>>, vector<2000x128xf32>
    %get3A_2 = arith.constant 0 : index
    %get3A_3 = arith.constant 0 : index
    %get3A_4 = arith.constant 0 : index
    %get3A_5 = vector.load %arg2[%get3A_2, %get3A_3, %get3A_4] : memref<2x2000x128xf32, #tpu.memory_space<vmem>>, vector<1x2000x128xf32>
    %get3A_6 = vector.shape_cast %get3A_5 : vector<1x2000x128xf32> to vector<2000x128xf32>
    %add3A = arith.addf %get3A_1, %get3A_6 : vector<2000x128xf32>
    %get3A_7 = arith.constant 1 : index
    %get3A_8 = arith.constant 0 : index
    %get3A_9 = arith.constant 0 : index
    %get3A_10 = vector.load %arg2[%get3A_7, %get3A_8, %get3A_9] : memref<2x2000x128xf32, #tpu.memory_space<vmem>>, vector<1x2000x128xf32>
    %get3A_11 = vector.shape_cast %get3A_10 : vector<1x2000x128xf32> to vector<2000x128xf32>
    %add3A_12 = arith.addf %add3A, %get3A_11 : vector<2000x128xf32>
    %get3A_13 = arith.constant 0 : index
    %get3A_14 = arith.constant 0 : index
    %get3A_15 = vector.load %arg3[%get3A_13, %get3A_14] : memref<128x128xf32, #tpu.memory_space<vmem>>, vector<128x128xf32>
    %dot_general3A = arith.constant dense<0.000000e+00> : vector<2000x128xf32>
    %dot_general3A_16 = tpu.matmul %add3A_12, %get3A_15, %dot_general3A {dimension_numbers = #tpu.dot_dimension_numbers<[1], [0], [0], [1], [0, 0, 1, 1], [], []>, transpose_lhs_hint = false} : vector<2000x128xf32>, vector<128x128xf32>, vector<2000x128xf32> -> vector<2000x128xf32>
    %get3A_17 = arith.constant 0 : index
    %get3A_18 = arith.constant 0 : index
    %get3A_19 = vector.load %arg4[%get3A_17, %get3A_18] : memref<1x128xf32, #tpu.memory_space<vmem>>, vector<1x128xf32>
    %add3A_20 = vector.broadcast %get3A_19 : vector<1x128xf32> to vector<2000x128xf32>
    %add3A_21 = arith.addf %dot_general3A_16, %add3A_20 : vector<2000x128xf32>
    %max3A = arith.constant 0.000000e+00 : f32
    %max3A_22 = vector.broadcast %max3A : f32 to vector<2000x128xf32>
    %max3A_23 = arith.maximumf %add3A_21, %max3A_22 : vector<2000x128xf32>
    %swap3A = arith.constant 0 : index
    %swap3A_24 = arith.constant 0 : index
    %swap3A_25 = vector.load %arg5[%swap3A, %swap3A_24] : memref<2000x128xf32, #tpu.memory_space<vmem>>, vector<2000x128xf32>
    tpu.vector_store %arg5[%swap3A, %swap3A_24], %max3A_23 {strides = array<i32>} : memref<2000x128xf32, #tpu.memory_space<vmem>>, vector<2000x128xf32>,
    return
  }
  func.func @transform_0(%arg0: i32) -> (i32, i32) {
    %c0_i32 = arith.constant 0 : i32
    %c0_i32_0 = arith.constant 0 : i32
    return %arg0, %c0_i32 : i32, i32
  }
  func.func @transform_1(%arg0: i32) -> (i32, i32, i32) {
    %c0_i32 = arith.constant 0 : i32
    %c0_i32_0 = arith.constant 0 : i32
    %c0_i32_1 = arith.constant 0 : i32
    return %c0_i32, %arg0, %c0_i32_0 : i32, i32, i32
  }
  func.func @transform_2(%arg0: i32) -> (i32, i32) {
    %c0_i32 = arith.constant 0 : i32
    %c0_i32_0 = arith.constant 0 : i32
    %c0_i32_1 = arith.constant 0 : i32
    return %c0_i32, %c0_i32_0 : i32, i32
  }
  func.func @transform_3(%arg0: i32) -> (i32, i32) {
    %c0_i32 = arith.constant 0 : i32
    %c0_i32_0 = arith.constant 0 : i32
    %c0_i32_1 = arith.constant 0 : i32
    return %c0_i32, %c0_i32_0 : i32, i32
  }
  func.func @transform_4(%arg0: i32) -> (i32, i32) {
    %c0_i32 = arith.constant 0 : i32
    %c0_i32_0 = arith.constant 0 : i32
    return %arg0, %c0_i32 : i32, i32
  }
}

module attributes {stable_mosaic.version = 14 : i64} {
  func.func @_layer3_pool_body(%arg0: i32, %arg1: memref<2000x128xf32, #tpu.memory_space<vmem>>, %arg2: memref<2x2000x128xf32, #tpu.memory_space<vmem>>, %arg3: memref<128x128xf32, #tpu.memory_space<vmem>>, %arg4: memref<1x128xf32, #tpu.memory_space<vmem>>, %arg5: memref<1x1x2000xi32, #tpu.memory_space<vmem>>, %arg6: memref<128x128xf32, #tpu.memory_space<vmem>>, %arg7: memref<1x128xf32, #tpu.memory_space<vmem>>, %arg8: memref<64x128xf32, #tpu.memory_space<vmem>>, %arg9: memref<64x128xf32, #tpu.memory_space<vmem>>, %arg10: memref<64x1xf32, #tpu.memory_space<vmem>>) attributes {dimension_semantics = [#tpu.dimension_semantics<arbitrary>], iteration_bounds = array<i64: 5>, scalar_prefetch = 0 : i64, scratch_operands = 2 : i64, tpu.core_type = #tpu.core_type<tc>, window_params = [{transform_indices = @transform_0, window_bounds = array<i64: 2000, 128>}, {transform_indices = @transform_1, window_bounds = array<i64: 2, 2000, 128>}, {pipeline_mode = #tpu.pipeline_mode<synchronous>, transform_indices = @transform_2, window_bounds = array<i64: 128, 128>}, {pipeline_mode = #tpu.pipeline_mode<synchronous>, transform_indices = @transform_3, window_bounds = array<i64: 1, 128>}, {transform_indices = @transform_4, window_bounds = array<i64: 1, 1, 2000>}, {pipeline_mode = #tpu.pipeline_mode<synchronous>, transform_indices = @transform_5, window_bounds = array<i64: 128, 128>}, {pipeline_mode = #tpu.pipeline_mode<synchronous>, transform_indices = @transform_6, window_bounds = array<i64: 1, 128>}, {pipeline_mode = #tpu.pipeline_mode<synchronous>, transform_indices = @transform_7, window_bounds = array<i64: 64, 128>}]} {
    %eq3A = arith.constant 0 : i32
    %eq3A_0 = arith.cmpi eq, %arg0, %eq3A : i32
    %convert_element_type3A = arith.extui %eq3A_0 : i1 to i32
    %cond3A = arith.constant 0 : i32
    %cond3A_1 = arith.cmpi ne, %convert_element_type3A, %cond3A : i32
    scf.if %cond3A_1 {
      %broadcast_in_dim3A_57 = arith.constant 0.000000e+00 : f32
      %broadcast_in_dim3A_58 = vector.broadcast %broadcast_in_dim3A_57 : f32 to vector<64x128xf32>
      %swap3A_59 = arith.constant 0 : index
      %swap3A_60 = arith.constant 0 : index
      %swap3A_61 = vector.load %arg9[%swap3A_59, %swap3A_60] : memref<64x128xf32, #tpu.memory_space<vmem>>, vector<64x128xf32>
      tpu.vector_store %arg9[%swap3A_59, %swap3A_60], %broadcast_in_dim3A_58 {strides = array<i32>} : memref<64x128xf32, #tpu.memory_space<vmem>>, vector<64x128xf32>,
      %broadcast_in_dim3A_62 = arith.constant 0.000000e+00 : f32
      %broadcast_in_dim3A_63 = vector.broadcast %broadcast_in_dim3A_62 : f32 to vector<64x1xf32>
      %swap3A_64 = arith.constant 0 : index
      %swap3A_65 = arith.constant 0 : index
      %swap3A_66 = vector.load %arg10[%swap3A_64, %swap3A_65] : memref<64x1xf32, #tpu.memory_space<vmem>>, vector<64x1xf32>
      tpu.vector_store %arg10[%swap3A_64, %swap3A_65], %broadcast_in_dim3A_63 {strides = array<i32>} : memref<64x1xf32, #tpu.memory_space<vmem>>, vector<64x1xf32>,
    } else {
    }
    %get3A = arith.constant 0 : index
    %get3A_2 = arith.constant 0 : index
    %get3A_3 = vector.load %arg1[%get3A, %get3A_2] : memref<2000x128xf32, #tpu.memory_space<vmem>>, vector<2000x128xf32>
    %get3A_4 = arith.constant 0 : index
    %get3A_5 = arith.constant 0 : index
    %get3A_6 = arith.constant 0 : index
    %get3A_7 = vector.load %arg2[%get3A_4, %get3A_5, %get3A_6] : memref<2x2000x128xf32, #tpu.memory_space<vmem>>, vector<1x2000x128xf32>
    %get3A_8 = vector.shape_cast %get3A_7 : vector<1x2000x128xf32> to vector<2000x128xf32>
    %add3A = arith.addf %get3A_3, %get3A_8 : vector<2000x128xf32>
    %get3A_9 = arith.constant 1 : index
    %get3A_10 = arith.constant 0 : index
    %get3A_11 = arith.constant 0 : index
    %get3A_12 = vector.load %arg2[%get3A_9, %get3A_10, %get3A_11] : memref<2x2000x128xf32, #tpu.memory_space<vmem>>, vector<1x2000x128xf32>
    %get3A_13 = vector.shape_cast %get3A_12 : vector<1x2000x128xf32> to vector<2000x128xf32>
    %add3A_14 = arith.addf %add3A, %get3A_13 : vector<2000x128xf32>
    %get3A_15 = arith.constant 0 : index
    %get3A_16 = arith.constant 0 : index
    %get3A_17 = vector.load %arg3[%get3A_15, %get3A_16] : memref<128x128xf32, #tpu.memory_space<vmem>>, vector<128x128xf32>
    %dot_general3A = arith.constant dense<0.000000e+00> : vector<2000x128xf32>
    %dot_general3A_18 = tpu.matmul %add3A_14, %get3A_17, %dot_general3A {dimension_numbers = #tpu.dot_dimension_numbers<[1], [0], [0], [1], [0, 0, 1, 1], [], []>, transpose_lhs_hint = false} : vector<2000x128xf32>, vector<128x128xf32>, vector<2000x128xf32> -> vector<2000x128xf32>
    %get3A_19 = arith.constant 0 : index
    %get3A_20 = arith.constant 0 : index
    %get3A_21 = vector.load %arg4[%get3A_19, %get3A_20] : memref<1x128xf32, #tpu.memory_space<vmem>>, vector<1x128xf32>
    %add3A_22 = vector.broadcast %get3A_21 : vector<1x128xf32> to vector<2000x128xf32>
    %add3A_23 = arith.addf %dot_general3A_18, %add3A_22 : vector<2000x128xf32>
    %max3A = arith.constant 0.000000e+00 : f32
    %max3A_24 = vector.broadcast %max3A : f32 to vector<2000x128xf32>
    %max3A_25 = arith.maximumf %add3A_23, %max3A_24 : vector<2000x128xf32>
    %get3A_26 = arith.constant 0 : index
    %get3A_27 = arith.constant 0 : index
    %get3A_28 = arith.constant 0 : index
    %get3A_29 = vector.load %arg5[%get3A_26, %get3A_27, %get3A_28] : memref<1x1x2000xi32, #tpu.memory_space<vmem>>, vector<1x1x2000xi32>
    %get3A_30 = vector.shape_cast %get3A_29 : vector<1x1x2000xi32> to vector<2000xi32>
    %iota3A = tpu.iota {dimensions = array<i32: 0>} : vector<64x2000xi32>
    %broadcast_in_dim3A = vector.shape_cast %get3A_30 : vector<2000xi32> to vector<1x2000xi32>
    %eq3A_31 = vector.broadcast %broadcast_in_dim3A : vector<1x2000xi32> to vector<64x2000xi32>
    %eq3A_32 = arith.cmpi eq, %eq3A_31, %iota3A : vector<64x2000xi32>
    %convert_element_type3A_33 = arith.extui %eq3A_32 : vector<64x2000xi1> to vector<64x2000xi32>
    %convert_element_type3A_34 = arith.sitofp %convert_element_type3A_33 : vector<64x2000xi32> to vector<64x2000xf32>
    %get3A_35 = arith.constant 0 : index
    %get3A_36 = arith.constant 0 : index
    %get3A_37 = vector.load %arg9[%get3A_35, %get3A_36] : memref<64x128xf32, #tpu.memory_space<vmem>>, vector<64x128xf32>
    %dot_general3A_38 = arith.constant dense<0.000000e+00> : vector<64x128xf32>
    %dot_general3A_39 = tpu.matmul %convert_element_type3A_34, %max3A_25, %dot_general3A_38 {dimension_numbers = #tpu.dot_dimension_numbers<[1], [0], [0], [1], [0, 0, 1, 1], [], []>, transpose_lhs_hint = false} : vector<64x2000xf32>, vector<2000x128xf32>, vector<64x128xf32> -> vector<64x128xf32>
    %add3A_40 = arith.addf %get3A_37, %dot_general3A_39 : vector<64x128xf32>
    %swap3A = arith.constant 0 : index
    %swap3A_41 = arith.constant 0 : index
    %swap3A_42 = vector.load %arg9[%swap3A, %swap3A_41] : memref<64x128xf32, #tpu.memory_space<vmem>>, vector<64x128xf32>
    tpu.vector_store %arg9[%swap3A, %swap3A_41], %add3A_40 {strides = array<i32>} : memref<64x128xf32, #tpu.memory_space<vmem>>, vector<64x128xf32>,
    %get3A_43 = arith.constant 0 : index
    %get3A_44 = arith.constant 0 : index
    %get3A_45 = vector.load %arg10[%get3A_43, %get3A_44] : memref<64x1xf32, #tpu.memory_space<vmem>>, vector<64x1xf32>
    %reduce_sum3A = arith.constant dense<0.000000e+00> : vector<64xf32>
    %reduce_sum3A_46 = vector.multi_reduction <add>, %convert_element_type3A_34, %reduce_sum3A [1] : vector<64x2000xf32> to vector<64xf32>
    %broadcast_in_dim3A_47 = vector.shape_cast %reduce_sum3A_46 : vector<64xf32> to vector<64x1xf32>
    %add3A_48 = arith.addf %get3A_45, %broadcast_in_dim3A_47 : vector<64x1xf32>
    %swap3A_49 = arith.constant 0 : index
    %swap3A_50 = arith.constant 0 : index
    %swap3A_51 = vector.load %arg10[%swap3A_49, %swap3A_50] : memref<64x1xf32, #tpu.memory_space<vmem>>, vector<64x1xf32>
    tpu.vector_store %arg10[%swap3A_49, %swap3A_50], %add3A_48 {strides = array<i32>} : memref<64x1xf32, #tpu.memory_space<vmem>>, vector<64x1xf32>,
    %eq3A_52 = arith.constant 4 : i32
    %eq3A_53 = arith.cmpi eq, %arg0, %eq3A_52 : i32
    %convert_element_type3A_54 = arith.extui %eq3A_53 : i1 to i32
    %cond3A_55 = arith.constant 0 : i32
    %cond3A_56 = arith.cmpi ne, %convert_element_type3A_54, %cond3A_55 : i32
    scf.if %cond3A_56 {
      %get3A_57 = arith.constant 0 : index
      %get3A_58 = arith.constant 0 : index
      %get3A_59 = vector.load %arg9[%get3A_57, %get3A_58] : memref<64x128xf32, #tpu.memory_space<vmem>>, vector<64x128xf32>
      %get3A_60 = arith.constant 0 : index
      %get3A_61 = arith.constant 0 : index
      %get3A_62 = vector.load %arg10[%get3A_60, %get3A_61] : memref<64x1xf32, #tpu.memory_space<vmem>>, vector<64x1xf32>
      %max3A_63 = arith.constant 1.000000e+00 : f32
      %max3A_64 = vector.broadcast %max3A_63 : f32 to vector<64x1xf32>
      %max3A_65 = arith.maximumf %get3A_62, %max3A_64 : vector<64x1xf32>
      %div3A = vector.broadcast %max3A_65 : vector<64x1xf32> to vector<64x128xf32>
      %div3A_66 = arith.divf %get3A_59, %div3A : vector<64x128xf32>
      %get3A_67 = arith.constant 0 : index
      %get3A_68 = arith.constant 0 : index
      %get3A_69 = vector.load %arg6[%get3A_67, %get3A_68] : memref<128x128xf32, #tpu.memory_space<vmem>>, vector<128x128xf32>
      %dot_general3A_70 = arith.constant dense<0.000000e+00> : vector<64x128xf32>
      %dot_general3A_71 = tpu.matmul %div3A_66, %get3A_69, %dot_general3A_70 {dimension_numbers = #tpu.dot_dimension_numbers<[1], [0], [0], [1], [0, 0, 1, 1], [], []>, transpose_lhs_hint = false} : vector<64x128xf32>, vector<128x128xf32>, vector<64x128xf32> -> vector<64x128xf32>
      %get3A_72 = arith.constant 0 : index
      %get3A_73 = arith.constant 0 : index
      %get3A_74 = vector.load %arg7[%get3A_72, %get3A_73] : memref<1x128xf32, #tpu.memory_space<vmem>>, vector<1x128xf32>
      %add3A_75 = vector.broadcast %get3A_74 : vector<1x128xf32> to vector<64x128xf32>
      %add3A_76 = arith.addf %dot_general3A_71, %add3A_75 : vector<64x128xf32>
      %swap3A_77 = arith.constant 0 : index
      %swap3A_78 = arith.constant 0 : index
      %swap3A_79 = vector.load %arg8[%swap3A_77, %swap3A_78] : memref<64x128xf32, #tpu.memory_space<vmem>>, vector<64x128xf32>
      tpu.vector_store %arg8[%swap3A_77, %swap3A_78], %add3A_76 {strides = array<i32>} : memref<64x128xf32, #tpu.memory_space<vmem>>, vector<64x128xf32>,
    } else {
    }
    return
  }
  func.func @transform_0(%arg0: i32) -> (i32, i32) {
    %c0_i32 = arith.constant 0 : i32
    %c0_i32_0 = arith.constant 0 : i32
    return %arg0, %c0_i32 : i32, i32
  }
  func.func @transform_1(%arg0: i32) -> (i32, i32, i32) {
    %c0_i32 = arith.constant 0 : i32
    %c0_i32_0 = arith.constant 0 : i32
    %c0_i32_1 = arith.constant 0 : i32
    return %c0_i32, %arg0, %c0_i32_0 : i32, i32, i32
  }
  func.func @transform_2(%arg0: i32) -> (i32, i32) {
    %c0_i32 = arith.constant 0 : i32
    %c0_i32_0 = arith.constant 0 : i32
    %c0_i32_1 = arith.constant 0 : i32
    return %c0_i32, %c0_i32_0 : i32, i32
  }
  func.func @transform_3(%arg0: i32) -> (i32, i32) {
    %c0_i32 = arith.constant 0 : i32
    %c0_i32_0 = arith.constant 0 : i32
    %c0_i32_1 = arith.constant 0 : i32
    return %c0_i32, %c0_i32_0 : i32, i32
  }
  func.func @transform_4(%arg0: i32) -> (i32, i32, i32) {
    %c0_i32 = arith.constant 0 : i32
    %c0_i32_0 = arith.constant 0 : i32
    %c0_i32_1 = arith.constant 0 : i32
    return %arg0, %c0_i32, %c0_i32_0 : i32, i32, i32
  }
  func.func @transform_5(%arg0: i32) -> (i32, i32) {
    %c0_i32 = arith.constant 0 : i32
    %c0_i32_0 = arith.constant 0 : i32
    %c0_i32_1 = arith.constant 0 : i32
    return %c0_i32, %c0_i32_0 : i32, i32
  }
  func.func @transform_6(%arg0: i32) -> (i32, i32) {
    %c0_i32 = arith.constant 0 : i32
    %c0_i32_0 = arith.constant 0 : i32
    %c0_i32_1 = arith.constant 0 : i32
    return %c0_i32, %c0_i32_0 : i32, i32
  }
  func.func @transform_7(%arg0: i32) -> (i32, i32) {
    %c0_i32 = arith.constant 0 : i32
    %c0_i32_0 = arith.constant 0 : i32
    %c0_i32_1 = arith.constant 0 : i32
    return %c0_i32, %c0_i32_0 : i32, i32
  }
}

</mosaic_0001>

<sc_bundles>
// kernel: kernel.11.cloned.1.call-start
scs
__scs_entry_jumppad:
0x0: {  	(pc) =	sbr.rel $0x88, $3  }
0x1: {  	(tag) =	ssettag $0x0;
	lr =	simm.s32 $0x1  }
0x2: {  	[smem:$0x3F96] =	sst lr;
	_ =	strace $0xD0000000  }
0x3: {  	_ = 	snop  }
0x4: {  	_ = 	snop  }
0x5: {  	_ = 	snop  }
0x6: {  	_ = 	snop  }
0x7: {  	_ = 	snop  }
__scs_overlays_trampoline_lowered:
0x8: {  	[smem:$0x3FA5] =	sst s0  }
0x9: {  	[smem:$0x3FA6] =	sst s1  }
0xa: {  	[smem:$0x3FA7] =	sst s2  }
0xb: {  	[smem:$0x3FA8] =	sst s3  }
0xc: {  	[smem:$0x3FA9] =	sst s4  }
0xd: {  	[smem:$0x3FAA] =	sst s5  }
0xe: {  	[smem:$0x3FAB] =	sst s6  }
0xf: {  	[smem:$0x3FAC] =	sst s7  }
0x10: {  	[smem:$0x3FAD] =	sst s8  }
0x11: {  	[smem:$0x3FAE] =	sst s9;
	s0 =	simm.s32 @!p0 $0x0  }
0x12: {  	s1 =	sld [smem:$0x3F94];
	s0 =	simm.s32 @p0 $0x1  }
0x13: {  	[smem:$0x3FAF] =	sst s0;
	s0 =	simm.s32 @!p1 $0x0  }
0x14: {  	s2 =	sld [smem:$0x3F93];
	s0 =	simm.s32 @p1 $0x1  }
0x15: {  	[smem:$0x3FB0] =	sst s0;
	s0 =	simm.s32 @!p2 $0x0  }
0x16: {  	s3 =	sld [smem:$0x3FDB];
	s0 =	simm.s32 @p2 $0x1  }
0x17: {  	s4 =	simm.s32 $0x1BF5;
	[smem:$0x3FB2] =	sst s0  }
0x18: {  	s0 =	sld [smem:$0x3F95];
	_ =	swait.ge [sflag:s4], $0x0  }
0x19: {  	s7 =	sld [smem:$0x3F96]  }
0x1a: {  	s8 =	sadd.s32 $0xFFFFE003, lr  }
0x1b: {  	s9 =	sadd.s32 $0xFFFFFEF7, lr;
	s5 =	simm.s32 $0xFFFFFFFF;
	p2 =	slt.u32 s8, $0xFFFFF086  }
0x1c: {  	p1 =	slt.u32 s9, $0xF7A;
	s5 =	simm.s32 @!p2 $0x0  }
0x1d: {  	s5 =	simm.s32 @p1 $0x1;
	p0 =	seq.s32 s7, s2  }
0x1e: {  	s7 =	smul.u32 @!p0 $0xF7A, s2;
	p2 =	seq.s32 @!p0 s5, $0x0  }
0x1f: {  	s9 =	smul.u32 $0xF7A, s1;
	s8 =	simm.s32 @!p0 $0x1BF5;
	p2 =	por !p2, p0  }
0x20: {  	[sflag:s8] =	ssyncset.s32 @!p0 $0xFFFFF086;
	s6 =	sadd.s32 @!p0 s3, s7;
	s7 =	simm.s32 @!p0 $0x108  }
0x21: {  	s3 =	sadd.s32 s3, s9;
	s6 =	sadd.s32 @!p0 $0x88, s6;
	s7 =	simm.s32 @p2 $0x1082  }
0x22: {  	[simem:s7], [sflag:s8] =	dma.local @!p0 [hbm:s6], $0xF7A  }
0x23: {  	s9 =	sor.u32 $0xD0000000, s2;
	s6 =	simm.s32 $0x108;
	_ =	swait.ge @!p0 [sflag:s8], $0x0  }
0x24: {  	s3 =	sadd.s32 $0x88, s3;
	s6 =	simm.s32 @!p1 $0x1082;
	[sflag:s4] =	ssyncset.s32 $0xFFFFF086  }
0x25: {  	[simem:s6], [sflag:s4] =	dma.local [hbm:s3], $0xF7A  }
0x26: {  	[smem:$0x3F96] =	sst s1;
	(tag) =	ssettag s2;
	_ =	strace s9  }
0x27: {  	s1 =	sld [smem:$0x3FA6]  }
0x28: {  	s2 =	sld [smem:$0x3FA7]  }
0x29: {  	s4 =	sld [smem:$0x3FA9]  }
0x2a: {  	p0 =	seq.s32 s5, $0x0;
	s5 =	sld [smem:$0x3FAA]  }
0x2b: {  	s6 =	sld [smem:$0x3FAB]  }
0x2c: {  	s7 =	sld [smem:$0x3FAC]  }
0x2d: {  	s3 =	simm.s32 $0x108;
	s8 =	sld [smem:$0x3FAD]  }
0x2e: {  	s3 =	simm.s32 @!p0 $0x1082;
	s9 =	sld [smem:$0x3FAE]  }
0x2f: {  	lr =	sadd.s32 s0, s3;
	s0 =	sld [smem:$0x3FA5]  }
0x30: {  	s3 =	sld [smem:$0x3FA8]  }
0x31: {  	[smem:$0x3FB1] =	sst s10  }
0x32: {  	s10 =	sld [smem:$0x3FAF];
	_ =	sdelay $0x3  }
0x33: {  	p0 =	seq.s32 s10, $0x1;
	s10 =	sld [smem:$0x3FB1];
	_ =	sdelay $0x3  }
0x34: {  	[smem:$0x3FB1] =	sst s10  }
0x35: {  	s10 =	sld [smem:$0x3FB0];
	_ =	sdelay $0x3  }
0x36: {  	p1 =	seq.s32 s10, $0x1;
	s10 =	sld [smem:$0x3FB1];
	_ =	sdelay $0x3  }
0x37: {  	[smem:$0x3FB1] =	sst s10  }
0x38: {  	s10 =	sld [smem:$0x3FB2]  }
0x39: {  	_ = 	snop;
	(pc) =	sbr.ind lr, $3  }
0x3a: {  	_ = 	snop  }
0x3b: {  	_ = 	snop  }
0x3c: {  	p2 =	seq.s32 s10, $0x1;
	s10 =	sld [smem:$0x3FB1]  }
0x3d: {  	_ =	shalt  }
0x3e: {  	_ =	shalt  }
0x3f: {  	_ =	shalt  }
0x40: {  	_ =	shalt  }
0x41: {  	_ =	shalt  }
0x42: {  	_ =	shalt  }
0x43: {  	_ =	shalt  }
0x44: {  	_ =	shalt  }
0x45: {  	_ =	shalt  }
0x46: {  	_ =	shalt  }
0x47: {  	_ =	shalt  }
0x48: {  	_ =	shalt  }
0x49: {  	_ =	shalt  }
0x4a: {  	_ =	shalt  }
0x4b: {  	_ =	shalt  }
0x4c: {  	_ =	shalt  }
0x4d: {  	_ =	shalt  }
0x4e: {  	_ =	shalt  }
0x4f: {  	_ =	shalt  }
0x50: {  	_ =	shalt  }
0x51: {  	_ =	shalt  }
0x52: {  	_ =	shalt  }
0x53: {  	_ =	shalt  }
0x54: {  	_ =	shalt  }
0x55: {  	_ =	shalt  }
0x56: {  	_ =	shalt  }
0x57: {  	_ =	shalt  }
0x58: {  	_ =	shalt  }
0x59: {  	_ =	shalt  }
0x5a: {  	_ =	shalt  }
0x5b: {  	_ =	shalt  }
0x5c: {  	_ =	shalt  }
0x5d: {  	_ =	shalt  }
0x5e: {  	_ =	shalt  }
0x5f: {  	_ =	shalt  }
0x60: {  	_ =	shalt  }
0x61: {  	_ =	shalt  }
0x62: {  	_ =	shalt  }
0x63: {  	_ =	shalt  }
0x64: {  	_ =	shalt  }
0x65: {  	_ =	shalt  }
0x66: {  	_ =	shalt  }
0x67: {  	_ =	shalt  }
0x68: {  	_ =	shalt  }
0x69: {  	_ =	shalt  }
0x6a: {  	_ =	shalt  }
0x6b: {  	_ =	shalt  }
0x6c: {  	_ =	shalt  }
0x6d: {  	_ =	shalt  }
0x6e: {  	_ =	shalt  }
0x6f: {  	_ =	shalt  }
0x70: {  	_ =	shalt  }
0x71: {  	_ =	shalt  }
0x72: {  	_ =	shalt  }
0x73: {  	_ =	shalt  }
0x74: {  	_ =	shalt  }
0x75: {  	_ =	shalt  }
0x76: {  	_ =	shalt  }
0x77: {  	_ =	shalt  }
0x78: {  	_ =	shalt  }
0x79: {  	_ =	shalt  }
0x7a: {  	_ =	shalt  }
0x7b: {  	_ =	shalt  }
0x7c: {  	_ =	shalt  }
0x7d: {  	_ =	shalt  }
0x7e: {  	_ =	shalt  }
0x7f: {  	_ =	shalt  }
0x80: {  	_ =	shalt  }
0x81: {  	_ =	shalt  }
0x82: {  	_ =	shalt  }
0x83: {  	_ =	shalt  }
0x84: {  	_ =	shalt  }
0x85: {  	_ =	shalt  }
0x86: {  	_ =	shalt  }
0x87: {  	_ =	shalt  }
.Lfunc_end0:
.L_simem_size_0:
called_computation.1_lowered:
.L_overlay_start_0:
0x88: {  	s2 =	sld [smem:$0x3FD9]  }
0x89: {  	s3 =	sld [smem:$0x3FFE];
	_ =	sdelay $0x1  }
0x8a: {  	s1 =	srdreg.scid  }
0x8b: {  	s0 =	sand.u32 $0x1, s1  }
0x8c: {  	s16 =	sshll.u32 s0, $0xA;
	s2 =	sadd.s32 s3, s2  }
0x8d: {  	s2 =	sadd.s32 s2, s16  }
0x8e: {  	[smem:$0x3FBD] =	sst s2  }
0x8f: {  	_ = 	snop  }
0x90: {  	(tm) =	ssettm $0x1  }
0x91: {  	s17 =	sld [smem:$0x3FFB];
	_ =	sdelay $0x3  }
0x92: {  	_ =	strace s17  }
0x93: {  	s2 =	sld [smem:$0x3FFC];
	_ =	sdelay $0x3  }
0x94: {  	_ =	strace s2  }
0x95: {  	s2 =	sld [smem:$0x3FFD];
	_ =	sdelay $0x3  }
0x96: {  	_ =	strace s2  }
0x97: {  	_ =	strace $0x8FFFFFFF  }
0x98: {  	s18 =	sld [smem:$0x3FDB];
	_ =	sdelay $0x1  }
0x99: {  	s19 =	simm.s32 $_scs_section_size  }
0x9a: {  	s4 =	simm.s32 $_size__tile_overlayer_lowered;
	s5 =	simm.s32 $_tile_overlayer_lowered  }
0x9b: {  	s22 =	simm.s32 $0x1BFF;
	s21 =	sshll.u32 s5, $0x1;
	s2 =	sadd.s32 s19, s18  }
0x9c: {  	s6 =	simm.s32 $0x0;
	s20 =	sshll.u32 s4, $0x1;
	s4 =	sadd.s32 s21, s2  }
0x9d: {  	[timem:s6], [sflag:s22] =	dma.local [hbm:s4], s20  }
0x9e: {  	_ =	swait.ge [sflag:s22], s20  }
0x9f: {  	s3 =	ssub.s32 $0x0, s20;
	[sflag:s22] =	ssyncset.done $0x0  }
0xa0: {  	[sflag:s22] =	ssyncadd.s32 s3;
	_ =	sdelay $0x1  }
0xa1: {  	s23 =	simm.s32 $0x1B8B  }
0xa2: {  	_ =	swait.ge [sflag:s23], $0x1  }
0xa3: {  	[sflag:s23] =	ssyncset.done $0x0  }
0xa4: {  	s25 =	simm.s32 $0x1B8E;
	s24 =	sld [smem:$0x3FFE];
	[sflag:s23] =	ssyncadd.s32 $0xFFFFFFFF  }
0xa5: {  	s26 =	simm.s32 $execute0_lowered;
	[smem:$0x3FD2] =	sst s25  }
0xa6: {  	s4 =	sshll.u32 s26, $0x1;
	_ =	strace $0x80000049;
	[dreg:$0x1] =	wrdreg $0xFFFFFFFF  }
0xa7: {  	s28 =	simm.s32 $_size_execute0_lowered;
	s2 =	sadd.s32 s2, s4;
	[dreg:$0x0] =	wrdreg $0x0  }
0xa8: {  	s4 =	sshll.u32 s28, $0x1;
	[dreg:$0x2] =	wrdreg s2  }
0xa9: {  	[dreg:$0x3] =	wrdreg s4  }
0xaa: {  	[dreg:$0x4] =	wrdreg $0xC0  }
0xab: {  	_ =	task [dreg:s6], $0x5FFFF  }
0xac: {  	[dreg:$0x1] =	wrdreg $0xFFFFFFFF  }
0xad: {  	[dreg:$0x0] =	wrdreg $0x60  }
0xae: {  	[dreg:$0x2] =	wrdreg s24  }
0xaf: {  	[dreg:$0x3] =	wrdreg $0xA8000  }
0xb0: {  	[dreg:$0x4] =	wrdreg $0x9  }
0xb1: {  	_ =	task.clear_ibuf [dreg:s6], $0x5FFFF;
	_ =	strace $0x90000049  }
0xb2: {  	s29 =	simm.s32 $0x9;
	_ =	strace $0x8000004B  }
0xb3: {  	_ =	swait.ge [sflag:s29], $0x1  }
0xb4: {  	[sflag:s29] =	ssyncadd.s32 $0xFFFFFFFF  }
0xb5: {  	_ =	strace $0x9000004B  }
0xb6: {  	_ =	sfence  }
0xb7: {  	s30 =	sld [smem:$0x0];
	_ =	sdelay $0x2  }
0xb8: {  	s31 =	sshll.u32 s1, $0xD;
	s1 =	sshrl.u32 s1, $0x2  }
0xb9: {  	s3 =	sand.u32 $0x4000, s31;
	s1 =	sadd.s32 s1, s30  }
0xba: {  	s0 =	sor.u32 s3, s0;
	s1 =	sshll.u32 s1, $0x11  }
0xbb: {  	s0 =	sor.u32 s1, s0  }
0xbc: {  	s0 =	sadd.s32 $0x8F2B, s0  }
0xbd: {  	[sflag:s0] =	ssyncadd.remote.s32 $0x1  }
0xbe: {  	_ =	sfence.sel $0xFFFF  }
0xbf: {  	[dreg:$0x0] =	wrdreg $0xFFFFFFFF;
	(pc) =	sbr.abs _section_cstart, $3  }
0xc0: {  	[dreg:$0x1] =	wrdreg $0xFFFFFFFF  }
0xc1: {  	_ =	task.clear_ibuf [dreg:s6], $0x2FFFF;
	_ =	strace $0x9FFFFFFF  }
0xc2: {  	(tm) =	ssettm $0x7FFFFFFF  }
0xc3: {  	_ =	shalt  }
tec
execute0_lowered:
.L_overlay_start_1:
0x0: {  	(tag) =	ssettag $0x1  }
0x1: {  	s6 =	rddreg [dreg:$0x0]  }
0x2: {  	s0 =	srdreg.scid;
	s2 =	rddreg [dreg:$0x1]  }
0x3: {  	s3 =	simm.s32 $0x0;
	s15 =	simm.s32 $0x1400;
	s16 =	simm.s32 $0x4  }
0x4: {  	s17 =	simm.s32 $0x2;
	s18 =	simm.s32 $0x7D;
	s19 =	simm.s32 $0x2800  }
0x5: {  	s20 =	simm.s32 $0x3;
	s21 =	simm.s32 $0x1;
	s22 =	simm.s32 $0x6800  }
0x6: {  	s23 =	simm.s32 $0x5;
	s24 =	simm.s32 $0x1380;
	s25 =	simm.s32 $0x2700  }
0x7: {  	s26 =	simm.s32 $0x2780;
	s5 =	sand.u32 $0x1, s0;
	s0 =	stileid.u32  }
0x8: {  	s28 =	simm.s32 $0x0;
	[smem:$0x7FF] =	sst s3;
	s7 =	smul.u32 $0x13C00, s0  }
0x9: {  	s1 =	sshll.u32 s5, $0x4;
	s9 =	smul.u32 $0x13C000, s5;
	s5 =	ssub.s32 $0x2, s5  }
0xa: {  	s30 =	smul.u32 $0x4F000, s0;
	s4 =	sor.u32 s0, s1;
	s1 =	rddreg [dreg:$0x2]  }
0xb: {  	_ =	strace $0x8000004A;
	s10 =	sshrl.u32 s5, $0x1;
	s4 =	smul.u32 $0x2800, s4  }
0xc: {  	s29 =	sshrl.u32 s7, $0x3;
	s7 =	sadd.s32 s7, s9;
	s31 =	sshrl.u32 s30, $0x2  }
0xd: {  	s13 =	ssub.s32 s5, s10;
	s7 =	sshrl.u32 s7, $0x3;
	s14 =	sadd.s32 s31, s2  }
0xe: {  	s13 =	smax.u32 s13, $0x1;
	s8 =	sshrl.u32 s4, $0x3;
	s4 =	sadd.s32 $0x3EC00, s6  }
0xf: {  	s12 =	sadd.s32 s7, s6;
	s14 =	sshrl.u32 s14, $0x3;
	s11 =	sadd.s32 s8, s6  }
0x10: {  	s8 =	sadd.s32 s29, s6;
	s6 =	sshll.u32 s0, $0x6;
	s12 =	sadd.s32 $0x65E00, s12  }
0x11: {  	s5 =	sadd.s32 $0x17400, s8;
	s7 =	sor.u32 $0x1C03, s6;
	s8 =	sadd.s32 $0x3400, s11  }
0x12: {  	s9 =	sadd.s32 $0xD400, s11;
	s10 =	sadd.s32 $0x3680, s11;
	s11 =	sadd.s32 $0xD680, s11  }
.LBB2_1:
0x13: {  	[spmem:s14], [sflag:s7] =	dma.local [hbm:s5], $0x2780  }
0x14: {  	[tilespmem:s3], [sflag:$0x4] =	stream.linear.gather [hbm4b:s8+s3], $0x1400, $0x38;
	[tilespmem:$0x1E400] =	vst v63  }
0x15: {  	_ = 	snop  }
0x16: {  	[tilespmem:s15], [sflag:$0x2] =	stream.linear.gather [hbm4b:s9+s3], $0x1400, $0x38;
	[tilespmem:$0x1E400] =	vst v63  }
0x17: {  	_ =	swait.ge [sflag:s16], $0x1400  }
0x18: {  	[sflag:s16] =	ssyncset.done $0x0  }
0x19: {  	[sflag:s16] =	ssyncadd.s32 $0xFFFFEC00  }
0x1a: {  	_ =	swait.ge [sflag:s17], $0x1400  }
0x1b: {  	[sflag:s17] =	ssyncset.done $0x0  }
0x1c: {  	[sflag:s17] =	ssyncadd.s32 $0xFFFFEC00  }
0x1d: {  	[tilespmem:s19], [sflag:$0x1] =	stream.indirect.gather [hbm4b:s4+s18], $0x80, s3, s18, $0xb8;
	[tilespmem:$0x1E400] =	vst v63  }
0x1e: {  	_ =	swait.ge [sflag:s20], $0x2780  }
0x1f: {  	[sflag:s20] =	ssyncset.done $0x0  }
0x20: {  	[sflag:s20] =	ssyncadd.s32 $0xFFFFD880  }
0x21: {  	[bflag:$0x0] =	sbarrier.arrive $0xFFFF  }
0x22: {  	_ =	swait.ge [sflag:s21], $0x3E80  }
0x23: {  	[sflag:s21] =	ssyncset.done $0x0  }
0x24: {  	s29 =	simm.s32 $0x80;
	[sflag:s21] =	ssyncadd.s32 $0xFFFFC180  }
0x25: {  	[tilespmem:s22], [sflag:$0x2] =	stream.indirect.gather [hbm4b:s4+s18], $0x80, s29, s18, $0xb8;
	[tilespmem:$0x1E400] =	vst v63  }
0x26: {  	s29 =	simm.s32 $0x1400  }
0x27: {  	[spmem:s2] =	stream.indirect.scatter.add.f32 [tilespmem:s19], [sflag:$0x5], $0x80, s29, s18, $0xb8;
	[tilespmem:$0x1E400] =	vst v63  }
0x28: {  	_ =	swait.ge [sflag:s23], $0x3E80  }
0x29: {  	[sflag:s23] =	ssyncset.done $0x0  }
0x2a: {  	[sflag:s23] =	ssyncadd.s32 $0xFFFFC180  }
0x2b: {  	_ =	swait.ge [sflag:s17], $0x3E80  }
0x2c: {  	[sflag:s17] =	ssyncset.done $0x0  }
0x2d: {  	s29 =	simm.s32 $0x100;
	[sflag:s17] =	ssyncadd.s32 $0xFFFFC180  }
0x2e: {  	[tilespmem:s19], [sflag:$0x1] =	stream.indirect.gather [hbm4b:s4+s18], $0x80, s29, s18, $0xb8;
	[tilespmem:$0x1E400] =	vst v63  }
0x2f: {  	s29 =	simm.s32 $0x1480  }
0x30: {  	[spmem:s2] =	stream.indirect.scatter.add.f32 [tilespmem:s22], [sflag:$0x5], $0x80, s29, s18, $0xb8;
	[tilespmem:$0x1E400] =	vst v63  }
0x31: {  	_ =	swait.ge [sflag:s23], $0x3E80  }
0x32: {  	s29 =	simm.s32 $0x400;
	[sflag:s23] =	ssyncset.done $0x0  }
.LBB2_2:
0x33: {  	p0 =	sne.s32 s29, $0x4800  }
0x34: {  	[sflag:s23] =	ssyncadd.s32 $0xFFFFC180;
	s30 =	smov.u32 s29;
	s29 =	sadd.s32 $0x400, s29  }
0x35: {  	_ = 	snop  }
0x36: {  	_ =	swait.ge [sflag:s21], $0x3E80  }
0x37: {  	s30 =	sshra.s32 s30, $0x2;
	[sflag:s21] =	ssyncset.done $0x0  }
0x38: {  	s31 =	sadd.s32 $0x80, s30;
	[sflag:s21] =	ssyncadd.s32 $0xFFFFC180  }
0x39: {  	[tilespmem:s22], [sflag:$0x2] =	stream.indirect.gather [hbm4b:s4+s18], $0x80, s31, s18, $0xb8;
	[tilespmem:$0x1E400] =	vst v63  }
0x3a: {  	s31 =	sadd.s32 $0x1400, s30  }
0x3b: {  	[spmem:s2] =	stream.indirect.scatter.add.f32 [tilespmem:s19], [sflag:$0x5], $0x80, s31, s18, $0xb8;
	[tilespmem:$0x1E400] =	vst v63  }
0x3c: {  	_ =	swait.ge [sflag:s23], $0x3E80  }
0x3d: {  	[sflag:s23] =	ssyncset.done $0x0  }
0x3e: {  	[sflag:s23] =	ssyncadd.s32 $0xFFFFC180  }
0x3f: {  	_ =	swait.ge [sflag:s17], $0x3E80  }
0x40: {  	[sflag:s17] =	ssyncset.done $0x0  }
0x41: {  	s31 =	sadd.s32 $0x100, s30;
	[sflag:s17] =	ssyncadd.s32 $0xFFFFC180  }
0x42: {  	[tilespmem:s19], [sflag:$0x1] =	stream.indirect.gather [hbm4b:s4+s18], $0x80, s31, s18, $0xb8;
	[tilespmem:$0x1E400] =	vst v63  }
.Ltmp0:
0x43: {  	_ = 	snop;
	(pc) =	sbr.rel @p0 .LBB2_2-.Ltmp0, $4  }
0x44: {  	s30 =	sadd.s32 $0x1480, s30  }
0x45: {  	[spmem:s2] =	stream.indirect.scatter.add.f32 [tilespmem:s22], [sflag:$0x5], $0x80, s30, s18, $0xb8;
	[tilespmem:$0x1E400] =	vst v63  }
0x46: {  	_ =	swait.ge [sflag:s23], $0x3E80  }
0x47: {  	[sflag:s23] =	ssyncset.done $0x0  }
0x48: {  	[sflag:s23] =	ssyncadd.s32 $0xFFFFC180  }
0x49: {  	_ =	swait.ge [sflag:s21], $0x3E80  }
0x4a: {  	[sflag:s21] =	ssyncset.done $0x0  }
0x4b: {  	[sflag:s21] =	ssyncadd.s32 $0xFFFFC180  }
0x4c: {  	[tilespmem:s22], [sflag:$0x2] =	stream.indirect.gather [hbm4b:s4+s18], $0x80, s24, s18, $0xb8;
	[tilespmem:$0x1E400] =	vst v63  }
0x4d: {  	_ = 	snop  }
0x4e: {  	[spmem:s2] =	stream.indirect.scatter.add.f32 [tilespmem:s19], [sflag:$0x5], $0x80, s25, s18, $0xb8;
	[tilespmem:$0x1E400] =	vst v63  }
0x4f: {  	_ =	swait.ge [sflag:s23], $0x3E80  }
0x50: {  	[sflag:s23] =	ssyncset.done $0x0  }
0x51: {  	[sflag:s23] =	ssyncadd.s32 $0xFFFFC180  }
0x52: {  	_ =	swait.ge [sflag:s17], $0x3E80  }
0x53: {  	[sflag:s17] =	ssyncset.done $0x0  }
0x54: {  	[sflag:s17] =	ssyncadd.s32 $0xFFFFC180  }
0x55: {  	[spmem:s2] =	stream.indirect.scatter.add.f32 [tilespmem:s22], [sflag:$0x5], $0x80, s26, s18, $0xb8;
	[tilespmem:$0x1E400] =	vst v63  }
0x56: {  	_ =	swait.ge [sflag:s23], $0x3E80  }
0x57: {  	[sflag:s23] =	ssyncset.done $0x0  }
0x58: {  	s29 =	simm.s32 $0x0;
	[sflag:s23] =	ssyncadd.s32 $0xFFFFC180  }
0x59: {  	[tilespmem:s29], [sflag:$0x5] =	stream.linear.gather [hbm4b:s10+s29], $0x1400, $0x38;
	[tilespmem:$0x1E400] =	vst v63  }
0x5a: {  	_ =	swait.ge [sflag:s23], $0x1400  }
0x5b: {  	[sflag:s23] =	ssyncset.done $0x0  }
0x5c: {  	[sflag:s23] =	ssyncadd.s32 $0xFFFFEC00  }
0x5d: {  	[tilespmem:s15], [sflag:$0x5] =	stream.linear.gather [hbm4b:s11+s29], $0x1400, $0x38;
	[tilespmem:$0x1E400] =	vst v63  }
0x5e: {  	_ =	swait.ge [sflag:s23], $0x1400  }
0x5f: {  	[sflag:s23] =	ssyncset.done $0x0  }
0x60: {  	[sflag:s23] =	ssyncadd.s32 $0xFFFFEC00  }
0x61: {  	[tilespmem:s19], [sflag:$0x1] =	stream.indirect.gather [hbm4b:s4+s18], $0x80, s29, s18, $0xb8;
	[tilespmem:$0x1E400] =	vst v63  }
0x62: {  	_ =	swait.ge [sflag:s21], $0x3E80  }
0x63: {  	[sflag:s21] =	ssyncset.done $0x0  }
0x64: {  	s29 =	simm.s32 $0x80;
	[sflag:s21] =	ssyncadd.s32 $0xFFFFC180  }
0x65: {  	[tilespmem:s22], [sflag:$0x2] =	stream.indirect.gather [hbm4b:s4+s18], $0x80, s29, s18, $0xb8;
	[tilespmem:$0x1E400] =	vst v63  }
0x66: {  	s29 =	simm.s32 $0x1400  }
0x67: {  	[spmem:s2] =	stream.indirect.scatter.add.f32 [tilespmem:s19], [sflag:$0x5], $0x80, s29, s18, $0xb8;
	[tilespmem:$0x1E400] =	vst v63  }
0x68: {  	_ =	swait.ge [sflag:s23], $0x3E80  }
0x69: {  	[sflag:s23] =	ssyncset.done $0x0  }
0x6a: {  	[sflag:s23] =	ssyncadd.s32 $0xFFFFC180  }
0x6b: {  	_ =	swait.ge [sflag:s17], $0x3E80  }
0x6c: {  	[sflag:s17] =	ssyncset.done $0x0  }
0x6d: {  	s29 =	simm.s32 $0x100;
	[sflag:s17] =	ssyncadd.s32 $0xFFFFC180  }
0x6e: {  	[tilespmem:s19], [sflag:$0x1] =	stream.indirect.gather [hbm4b:s4+s18], $0x80, s29, s18, $0xb8;
	[tilespmem:$0x1E400] =	vst v63  }
0x6f: {  	s29 =	simm.s32 $0x1480  }
0x70: {  	[spmem:s2] =	stream.indirect.scatter.add.f32 [tilespmem:s22], [sflag:$0x5], $0x80, s29, s18, $0xb8;
	[tilespmem:$0x1E400] =	vst v63  }
0x71: {  	_ =	swait.ge [sflag:s23], $0x3E80  }
0x72: {  	s29 =	simm.s32 $0x400;
	[sflag:s23] =	ssyncset.done $0x0  }
.LBB2_4:
0x73: {  	p0 =	sne.s32 s29, $0x4800  }
0x74: {  	[sflag:s23] =	ssyncadd.s32 $0xFFFFC180;
	s30 =	smov.u32 s29;
	s29 =	sadd.s32 $0x400, s29  }
0x75: {  	_ = 	snop  }
0x76: {  	_ =	swait.ge [sflag:s21], $0x3E80  }
0x77: {  	s30 =	sshra.s32 s30, $0x2;
	[sflag:s21] =	ssyncset.done $0x0  }
0x78: {  	s31 =	sadd.s32 $0x80, s30;
	[sflag:s21] =	ssyncadd.s32 $0xFFFFC180  }
0x79: {  	[tilespmem:s22], [sflag:$0x2] =	stream.indirect.gather [hbm4b:s4+s18], $0x80, s31, s18, $0xb8;
	[tilespmem:$0x1E400] =	vst v63  }
0x7a: {  	s31 =	sadd.s32 $0x1400, s30  }
0x7b: {  	[spmem:s2] =	stream.indirect.scatter.add.f32 [tilespmem:s19], [sflag:$0x5], $0x80, s31, s18, $0xb8;
	[tilespmem:$0x1E400] =	vst v63  }
0x7c: {  	_ =	swait.ge [sflag:s23], $0x3E80  }
0x7d: {  	[sflag:s23] =	ssyncset.done $0x0  }
0x7e: {  	[sflag:s23] =	ssyncadd.s32 $0xFFFFC180  }
0x7f: {  	_ =	swait.ge [sflag:s17], $0x3E80  }
0x80: {  	[sflag:s17] =	ssyncset.done $0x0  }
0x81: {  	s31 =	sadd.s32 $0x100, s30;
	[sflag:s17] =	ssyncadd.s32 $0xFFFFC180  }
0x82: {  	[tilespmem:s19], [sflag:$0x1] =	stream.indirect.gather [hbm4b:s4+s18], $0x80, s31, s18, $0xb8;
	[tilespmem:$0x1E400] =	vst v63  }
.Ltmp1:
0x83: {  	_ = 	snop;
	(pc) =	sbr.rel @p0 .LBB2_4-.Ltmp1, $4  }
0x84: {  	s30 =	sadd.s32 $0x1480, s30  }
0x85: {  	[spmem:s2] =	stream.indirect.scatter.add.f32 [tilespmem:s22], [sflag:$0x5], $0x80, s30, s18, $0xb8;
	[tilespmem:$0x1E400] =	vst v63  }
0x86: {  	_ =	swait.ge [sflag:s23], $0x3E80  }
0x87: {  	[sflag:s23] =	ssyncset.done $0x0  }
0x88: {  	[sflag:s23] =	ssyncadd.s32 $0xFFFFC180  }
0x89: {  	_ =	swait.ge [sflag:s21], $0x3E80  }
0x8a: {  	[sflag:s21] =	ssyncset.done $0x0  }
0x8b: {  	[sflag:s21] =	ssyncadd.s32 $0xFFFFC180  }
0x8c: {  	[tilespmem:s22], [sflag:$0x2] =	stream.indirect.gather [hbm4b:s4+s18], $0x80, s24, s18, $0xb8;
	[tilespmem:$0x1E400] =	vst v63  }
0x8d: {  	_ = 	snop  }
0x8e: {  	[spmem:s2] =	stream.indirect.scatter.add.f32 [tilespmem:s19], [sflag:$0x5], $0x80, s25, s18, $0xb8;
	[tilespmem:$0x1E400] =	vst v63  }
0x8f: {  	_ =	swait.ge [sflag:s23], $0x3E80  }
0x90: {  	[sflag:s23] =	ssyncset.done $0x0  }
0x91: {  	[sflag:s23] =	ssyncadd.s32 $0xFFFFC180  }
0x92: {  	_ =	swait.ge [sflag:s17], $0x3E80  }
0x93: {  	[sflag:s17] =	ssyncset.done $0x0  }
0x94: {  	[sflag:s17] =	ssyncadd.s32 $0xFFFFC180  }
0x95: {  	[spmem:s2] =	stream.indirect.scatter.add.f32 [tilespmem:s22], [sflag:$0x5], $0x80, s26, s18, $0xb8;
	[tilespmem:$0x1E400] =	vst v63  }
0x96: {  	_ =	swait.ge [sflag:s23], $0x3E80  }
0x97: {  	s28 =	sadd.s32 $0x1, s28;
	[sflag:s23] =	ssyncset.done $0x0  }
0x98: {  	p0 =	sne.s32 s28, s13;
	[sflag:s23] =	ssyncadd.s32 $0xFFFFC180  }
.Ltmp2:
0x99: {  	s29 =	sor.u32 $0x1C05, s6;
	[bflag:$0x0] =	sbarrier.arrive $0xFFFF;
	(pc) =	sbr.rel @p0 .LBB2_1-.Ltmp2, $4  }
0x9a: {  	[hbm:s12], [sflag:s29] =	dma.local [spmem:s14], $0x2780  }
0x9b: {  	_ =	swait.ge [sflag:s23], $0x2780  }
0x9c: {  	[sflag:s23] =	ssyncset.done $0x0  }
0x9d: {  	[sflag:s23] =	ssyncadd.s32 $0xFFFFD880  }
0x9e: {  	_ =	sfence.sel $0x180000  }
0x9f: {  	[bflag:$0x0] =	sbarrier.arrive $0xFFFF  }
0xa0: {  	p0 =	sne.s32 s0, $0x0;
	_ =	strace $0x9000004A  }
0xa1: {  	s0 =	sadd.s32 @!p0 $0x100000, s1;
	[bflag:$0x2] =	sbarrier.arrive $0xFFFF  }
0xa2: {  	[sflag:s0] =	ssyncadd.tile.s32 @!p0 $0x1;
	_ =	shalt  }
.Lfunc_end2:
_tile_overlayer_lowered:
.L_overlay_start_2:
0xa3: {  	(tag) =	ssettag $0x2  }
0xa4: {  	s0 =	rddreg [dreg:$0x0];
	s2 =	stileid.u32  }
0xa5: {  	s1 =	rddreg [dreg:$0x1];
	p0 =	sne.s32 s2, $0x0  }
0xa6: {  	s3 =	rddreg [dreg:$0x2];
	[bflag:$0x3] =	sbarrier.arrive $0xFFFF;
	s2 =	simm.s32 @!p0 $0x1C05  }
0xa7: {  	[timem:s3], [sflag:s2] =	dma.local @!p0 [hbm:s0], s1  }
0xa8: {  	s0 =	simm.s32 @!p0 $0x5  }
0xa9: {  	_ =	swait.ge @!p0 [sflag:s0], s1  }
0xaa: {  	s1 =	ssub.s32 @!p0 $0x0, s1;
	[sflag:s0] =	ssyncset.done @!p0 $0x0  }
0xab: {  	[sflag:s0] =	ssyncadd.s32 @!p0 s1  }
0xac: {  	[bflag:$0x3] =	sbarrier.arrive $0xFFFF  }
0xad: {  	_ =	shalt  }

// kernel: kernel.14.cloned.1.call-start
scs
__scs_entry_jumppad:
0x0: {  	(pc) =	sbr.rel $0x88, $3  }
0x1: {  	(tag) =	ssettag $0x0;
	lr =	simm.s32 $0x1  }
0x2: {  	[smem:$0x3F96] =	sst lr;
	_ =	strace $0xD0000000  }
0x3: {  	_ = 	snop  }
0x4: {  	_ = 	snop  }
0x5: {  	_ = 	snop  }
0x6: {  	_ = 	snop  }
0x7: {  	_ = 	snop  }
__scs_overlays_trampoline_lowered:
0x8: {  	[smem:$0x3FA5] =	sst s0  }
0x9: {  	[smem:$0x3FA6] =	sst s1  }
0xa: {  	[smem:$0x3FA7] =	sst s2  }
0xb: {  	[smem:$0x3FA8] =	sst s3  }
0xc: {  	[smem:$0x3FA9] =	sst s4  }
0xd: {  	[smem:$0x3FAA] =	sst s5  }
0xe: {  	[smem:$0x3FAB] =	sst s6  }
0xf: {  	[smem:$0x3FAC] =	sst s7  }
0x10: {  	[smem:$0x3FAD] =	sst s8  }
0x11: {  	[smem:$0x3FAE] =	sst s9;
	s0 =	simm.s32 @!p0 $0x0  }
0x12: {  	s1 =	sld [smem:$0x3F94];
	s0 =	simm.s32 @p0 $0x1  }
0x13: {  	[smem:$0x3FAF] =	sst s0;
	s0 =	simm.s32 @!p1 $0x0  }
0x14: {  	s2 =	sld [smem:$0x3F93];
	s0 =	simm.s32 @p1 $0x1  }
0x15: {  	[smem:$0x3FB0] =	sst s0;
	s0 =	simm.s32 @!p2 $0x0  }
0x16: {  	s3 =	sld [smem:$0x3FDB];
	s0 =	simm.s32 @p2 $0x1  }
0x17: {  	s4 =	simm.s32 $0x1BF5;
	[smem:$0x3FB2] =	sst s0  }
0x18: {  	s0 =	sld [smem:$0x3F95];
	_ =	swait.ge [sflag:s4], $0x0  }
0x19: {  	s7 =	sld [smem:$0x3F96]  }
0x1a: {  	s8 =	sadd.s32 $0xFFFFE003, lr  }
0x1b: {  	s9 =	sadd.s32 $0xFFFFFEF7, lr;
	s5 =	simm.s32 $0xFFFFFFFF;
	p2 =	slt.u32 s8, $0xFFFFF086  }
0x1c: {  	p1 =	slt.u32 s9, $0xF7A;
	s5 =	simm.s32 @!p2 $0x0  }
0x1d: {  	s5 =	simm.s32 @p1 $0x1;
	p0 =	seq.s32 s7, s2  }
0x1e: {  	s7 =	smul.u32 @!p0 $0xF7A, s2;
	p2 =	seq.s32 @!p0 s5, $0x0  }
0x1f: {  	s9 =	smul.u32 $0xF7A, s1;
	s8 =	simm.s32 @!p0 $0x1BF5;
	p2 =	por !p2, p0  }
0x20: {  	[sflag:s8] =	ssyncset.s32 @!p0 $0xFFFFF086;
	s6 =	sadd.s32 @!p0 s3, s7;
	s7 =	simm.s32 @!p0 $0x108  }
0x21: {  	s3 =	sadd.s32 s3, s9;
	s6 =	sadd.s32 @!p0 $0x88, s6;
	s7 =	simm.s32 @p2 $0x1082  }
0x22: {  	[simem:s7], [sflag:s8] =	dma.local @!p0 [hbm:s6], $0xF7A  }
0x23: {  	s9 =	sor.u32 $0xD0000000, s2;
	s6 =	simm.s32 $0x108;
	_ =	swait.ge @!p0 [sflag:s8], $0x0  }
0x24: {  	s3 =	sadd.s32 $0x88, s3;
	s6 =	simm.s32 @!p1 $0x1082;
	[sflag:s4] =	ssyncset.s32 $0xFFFFF086  }
0x25: {  	[simem:s6], [sflag:s4] =	dma.local [hbm:s3], $0xF7A  }
0x26: {  	[smem:$0x3F96] =	sst s1;
	(tag) =	ssettag s2;
	_ =	strace s9  }
0x27: {  	s1 =	sld [smem:$0x3FA6]  }
0x28: {  	s2 =	sld [smem:$0x3FA7]  }
0x29: {  	s4 =	sld [smem:$0x3FA9]  }
0x2a: {  	p0 =	seq.s32 s5, $0x0;
	s5 =	sld [smem:$0x3FAA]  }
0x2b: {  	s6 =	sld [smem:$0x3FAB]  }
0x2c: {  	s7 =	sld [smem:$0x3FAC]  }
0x2d: {  	s3 =	simm.s32 $0x108;
	s8 =	sld [smem:$0x3FAD]  }
0x2e: {  	s3 =	simm.s32 @!p0 $0x1082;
	s9 =	sld [smem:$0x3FAE]  }
0x2f: {  	lr =	sadd.s32 s0, s3;
	s0 =	sld [smem:$0x3FA5]  }
0x30: {  	s3 =	sld [smem:$0x3FA8]  }
0x31: {  	[smem:$0x3FB1] =	sst s10  }
0x32: {  	s10 =	sld [smem:$0x3FAF];
	_ =	sdelay $0x3  }
0x33: {  	p0 =	seq.s32 s10, $0x1;
	s10 =	sld [smem:$0x3FB1];
	_ =	sdelay $0x3  }
0x34: {  	[smem:$0x3FB1] =	sst s10  }
0x35: {  	s10 =	sld [smem:$0x3FB0];
	_ =	sdelay $0x3  }
0x36: {  	p1 =	seq.s32 s10, $0x1;
	s10 =	sld [smem:$0x3FB1];
	_ =	sdelay $0x3  }
0x37: {  	[smem:$0x3FB1] =	sst s10  }
0x38: {  	s10 =	sld [smem:$0x3FB2]  }
0x39: {  	_ = 	snop;
	(pc) =	sbr.ind lr, $3  }
0x3a: {  	_ = 	snop  }
0x3b: {  	_ = 	snop  }
0x3c: {  	p2 =	seq.s32 s10, $0x1;
	s10 =	sld [smem:$0x3FB1]  }
0x3d: {  	_ =	shalt  }
0x3e: {  	_ =	shalt  }
0x3f: {  	_ =	shalt  }
0x40: {  	_ =	shalt  }
0x41: {  	_ =	shalt  }
0x42: {  	_ =	shalt  }
0x43: {  	_ =	shalt  }
0x44: {  	_ =	shalt  }
0x45: {  	_ =	shalt  }
0x46: {  	_ =	shalt  }
0x47: {  	_ =	shalt  }
0x48: {  	_ =	shalt  }
0x49: {  	_ =	shalt  }
0x4a: {  	_ =	shalt  }
0x4b: {  	_ =	shalt  }
0x4c: {  	_ =	shalt  }
0x4d: {  	_ =	shalt  }
0x4e: {  	_ =	shalt  }
0x4f: {  	_ =	shalt  }
0x50: {  	_ =	shalt  }
0x51: {  	_ =	shalt  }
0x52: {  	_ =	shalt  }
0x53: {  	_ =	shalt  }
0x54: {  	_ =	shalt  }
0x55: {  	_ =	shalt  }
0x56: {  	_ =	shalt  }
0x57: {  	_ =	shalt  }
0x58: {  	_ =	shalt  }
0x59: {  	_ =	shalt  }
0x5a: {  	_ =	shalt  }
0x5b: {  	_ =	shalt  }
0x5c: {  	_ =	shalt  }
0x5d: {  	_ =	shalt  }
0x5e: {  	_ =	shalt  }
0x5f: {  	_ =	shalt  }
0x60: {  	_ =	shalt  }
0x61: {  	_ =	shalt  }
0x62: {  	_ =	shalt  }
0x63: {  	_ =	shalt  }
0x64: {  	_ =	shalt  }
0x65: {  	_ =	shalt  }
0x66: {  	_ =	shalt  }
0x67: {  	_ =	shalt  }
0x68: {  	_ =	shalt  }
0x69: {  	_ =	shalt  }
0x6a: {  	_ =	shalt  }
0x6b: {  	_ =	shalt  }
0x6c: {  	_ =	shalt  }
0x6d: {  	_ =	shalt  }
0x6e: {  	_ =	shalt  }
0x6f: {  	_ =	shalt  }
0x70: {  	_ =	shalt  }
0x71: {  	_ =	shalt  }
0x72: {  	_ =	shalt  }
0x73: {  	_ =	shalt  }
0x74: {  	_ =	shalt  }
0x75: {  	_ =	shalt  }
0x76: {  	_ =	shalt  }
0x77: {  	_ =	shalt  }
0x78: {  	_ =	shalt  }
0x79: {  	_ =	shalt  }
0x7a: {  	_ =	shalt  }
0x7b: {  	_ =	shalt  }
0x7c: {  	_ =	shalt  }
0x7d: {  	_ =	shalt  }
0x7e: {  	_ =	shalt  }
0x7f: {  	_ =	shalt  }
0x80: {  	_ =	shalt  }
0x81: {  	_ =	shalt  }
0x82: {  	_ =	shalt  }
0x83: {  	_ =	shalt  }
0x84: {  	_ =	shalt  }
0x85: {  	_ =	shalt  }
0x86: {  	_ =	shalt  }
0x87: {  	_ =	shalt  }
.Lfunc_end0:
.L_simem_size_0:
called_computation.2_lowered:
.L_overlay_start_0:
0x88: {  	s2 =	sld [smem:$0x3FD9]  }
0x89: {  	s3 =	sld [smem:$0x3FFE];
	_ =	sdelay $0x1  }
0x8a: {  	s1 =	srdreg.scid  }
0x8b: {  	s0 =	sand.u32 $0x1, s1  }
0x8c: {  	s16 =	sshll.u32 s0, $0xA;
	s2 =	sadd.s32 s3, s2  }
0x8d: {  	s2 =	sadd.s32 s2, s16  }
0x8e: {  	[smem:$0x3FBD] =	sst s2  }
0x8f: {  	_ = 	snop  }
0x90: {  	(tm) =	ssettm $0x1  }
0x91: {  	s17 =	sld [smem:$0x3FFB];
	_ =	sdelay $0x3  }
0x92: {  	_ =	strace s17  }
0x93: {  	s2 =	sld [smem:$0x3FFC];
	_ =	sdelay $0x3  }
0x94: {  	_ =	strace s2  }
0x95: {  	s2 =	sld [smem:$0x3FFD];
	_ =	sdelay $0x3  }
0x96: {  	_ =	strace s2  }
0x97: {  	_ =	strace $0x8FFFFFFF  }
0x98: {  	s18 =	sld [smem:$0x3FDB];
	_ =	sdelay $0x1  }
0x99: {  	s19 =	simm.s32 $_scs_section_size  }
0x9a: {  	s4 =	simm.s32 $_size__tile_overlayer_lowered;
	s5 =	simm.s32 $_tile_overlayer_lowered  }
0x9b: {  	s22 =	simm.s32 $0x1BFF;
	s21 =	sshll.u32 s5, $0x1;
	s2 =	sadd.s32 s19, s18  }
0x9c: {  	s6 =	simm.s32 $0x0;
	s20 =	sshll.u32 s4, $0x1;
	s4 =	sadd.s32 s21, s2  }
0x9d: {  	[timem:s6], [sflag:s22] =	dma.local [hbm:s4], s20  }
0x9e: {  	_ =	swait.ge [sflag:s22], s20  }
0x9f: {  	s3 =	ssub.s32 $0x0, s20;
	[sflag:s22] =	ssyncset.done $0x0  }
0xa0: {  	[sflag:s22] =	ssyncadd.s32 s3;
	_ =	sdelay $0x1  }
0xa1: {  	s23 =	simm.s32 $0x1B8B  }
0xa2: {  	_ =	swait.ge [sflag:s23], $0x1  }
0xa3: {  	[sflag:s23] =	ssyncset.done $0x0  }
0xa4: {  	s25 =	simm.s32 $0x1B8E;
	s24 =	sld [smem:$0x3FFE];
	[sflag:s23] =	ssyncadd.s32 $0xFFFFFFFF  }
0xa5: {  	s26 =	simm.s32 $execute0_lowered;
	[smem:$0x3FD2] =	sst s25  }
0xa6: {  	s4 =	sshll.u32 s26, $0x1;
	_ =	strace $0x8000004C;
	[dreg:$0x1] =	wrdreg $0xFFFFFFFF  }
0xa7: {  	s28 =	simm.s32 $_size_execute0_lowered;
	s2 =	sadd.s32 s2, s4;
	[dreg:$0x0] =	wrdreg $0x0  }
0xa8: {  	s4 =	sshll.u32 s28, $0x1;
	[dreg:$0x2] =	wrdreg s2  }
0xa9: {  	[dreg:$0x3] =	wrdreg s4  }
0xaa: {  	[dreg:$0x4] =	wrdreg $0xC0  }
0xab: {  	_ =	task [dreg:s6], $0x5FFFF  }
0xac: {  	[dreg:$0x1] =	wrdreg $0xFFFFFFFF  }
0xad: {  	[dreg:$0x0] =	wrdreg $0x60  }
0xae: {  	[dreg:$0x2] =	wrdreg s24  }
0xaf: {  	[dreg:$0x3] =	wrdreg $0xA8000  }
0xb0: {  	[dreg:$0x4] =	wrdreg $0x9  }
0xb1: {  	_ =	task.clear_ibuf [dreg:s6], $0x5FFFF;
	_ =	strace $0x9000004C  }
0xb2: {  	s29 =	simm.s32 $0x9;
	_ =	strace $0x8000004E  }
0xb3: {  	_ =	swait.ge [sflag:s29], $0x1  }
0xb4: {  	[sflag:s29] =	ssyncadd.s32 $0xFFFFFFFF  }
0xb5: {  	_ =	strace $0x9000004E  }
0xb6: {  	_ =	sfence  }
0xb7: {  	s30 =	sld [smem:$0x0];
	_ =	sdelay $0x2  }
0xb8: {  	s31 =	sshll.u32 s1, $0xD;
	s1 =	sshrl.u32 s1, $0x2  }
0xb9: {  	s3 =	sand.u32 $0x4000, s31;
	s1 =	sadd.s32 s1, s30  }
0xba: {  	s0 =	sor.u32 s3, s0;
	s1 =	sshll.u32 s1, $0x11  }
0xbb: {  	s0 =	sor.u32 s1, s0  }
0xbc: {  	s0 =	sadd.s32 $0x8F2B, s0  }
0xbd: {  	[sflag:s0] =	ssyncadd.remote.s32 $0x1  }
0xbe: {  	_ =	sfence.sel $0xFFFF  }
0xbf: {  	[dreg:$0x0] =	wrdreg $0xFFFFFFFF;
	(pc) =	sbr.abs _section_cstart, $3  }
0xc0: {  	[dreg:$0x1] =	wrdreg $0xFFFFFFFF  }
0xc1: {  	_ =	task.clear_ibuf [dreg:s6], $0x2FFFF;
	_ =	strace $0x9FFFFFFF  }
0xc2: {  	(tm) =	ssettm $0x7FFFFFFF  }
0xc3: {  	_ =	shalt  }
tec
execute0_lowered:
.L_overlay_start_1:
0x0: {  	(tag) =	ssettag $0x1  }
0x1: {  	s6 =	rddreg [dreg:$0x0]  }
0x2: {  	s0 =	srdreg.scid;
	s2 =	rddreg [dreg:$0x1]  }
0x3: {  	s3 =	simm.s32 $0x0;
	s15 =	simm.s32 $0x1400;
	s16 =	simm.s32 $0x4  }
0x4: {  	s17 =	simm.s32 $0x2;
	s18 =	simm.s32 $0x7D;
	s19 =	simm.s32 $0x2800  }
0x5: {  	s20 =	simm.s32 $0x3;
	s21 =	simm.s32 $0x1;
	s22 =	simm.s32 $0x6800  }
0x6: {  	s23 =	simm.s32 $0x5;
	s24 =	simm.s32 $0x1380;
	s25 =	simm.s32 $0x2700  }
0x7: {  	s26 =	simm.s32 $0x2780;
	s5 =	sand.u32 $0x1, s0;
	s0 =	stileid.u32  }
0x8: {  	s28 =	simm.s32 $0x0;
	[smem:$0x7FF] =	sst s3;
	s7 =	smul.u32 $0x13C00, s0  }
0x9: {  	s1 =	sshll.u32 s5, $0x4;
	s9 =	smul.u32 $0x13C000, s5;
	s5 =	ssub.s32 $0x2, s5  }
0xa: {  	s30 =	smul.u32 $0x4F000, s0;
	s4 =	sor.u32 s0, s1;
	s1 =	rddreg [dreg:$0x2]  }
0xb: {  	_ =	strace $0x8000004D;
	s10 =	sshrl.u32 s5, $0x1;
	s4 =	smul.u32 $0x2800, s4  }
0xc: {  	s29 =	sshrl.u32 s7, $0x3;
	s7 =	sadd.s32 s7, s9;
	s31 =	sshrl.u32 s30, $0x2  }
0xd: {  	s13 =	ssub.s32 s5, s10;
	s7 =	sshrl.u32 s7, $0x3;
	s14 =	sadd.s32 s31, s2  }
0xe: {  	s13 =	smax.u32 s13, $0x1;
	s8 =	sshrl.u32 s4, $0x3;
	s4 =	sadd.s32 $0x3EC00, s6  }
0xf: {  	s12 =	sadd.s32 s7, s6;
	s14 =	sshrl.u32 s14, $0x3;
	s11 =	sadd.s32 s8, s6  }
0x10: {  	s8 =	sadd.s32 s29, s6;
	s6 =	sshll.u32 s0, $0x6;
	s12 =	sadd.s32 $0x65E00, s12  }
0x11: {  	s5 =	sadd.s32 $0x17400, s8;
	s7 =	sor.u32 $0x1C03, s6;
	s8 =	sadd.s32 $0x3400, s11  }
0x12: {  	s9 =	sadd.s32 $0xD400, s11;
	s10 =	sadd.s32 $0x3680, s11;
	s11 =	sadd.s32 $0xD680, s11  }
.LBB2_1:
0x13: {  	[spmem:s14], [sflag:s7] =	dma.local [hbm:s5], $0x2780  }
0x14: {  	[tilespmem:s3], [sflag:$0x4] =	stream.linear.gather [hbm4b:s8+s3], $0x1400, $0x38;
	[tilespmem:$0x1E400] =	vst v63  }
0x15: {  	_ = 	snop  }
0x16: {  	[tilespmem:s15], [sflag:$0x2] =	stream.linear.gather [hbm4b:s9+s3], $0x1400, $0x38;
	[tilespmem:$0x1E400] =	vst v63  }
0x17: {  	_ =	swait.ge [sflag:s16], $0x1400  }
0x18: {  	[sflag:s16] =	ssyncset.done $0x0  }
0x19: {  	[sflag:s16] =	ssyncadd.s32 $0xFFFFEC00  }
0x1a: {  	_ =	swait.ge [sflag:s17], $0x1400  }
0x1b: {  	[sflag:s17] =	ssyncset.done $0x0  }
0x1c: {  	[sflag:s17] =	ssyncadd.s32 $0xFFFFEC00  }
0x1d: {  	[tilespmem:s19], [sflag:$0x1] =	stream.indirect.gather [hbm4b:s4+s18], $0x80, s3, s18, $0xb8;
	[tilespmem:$0x1E400] =	vst v63  }
0x1e: {  	_ =	swait.ge [sflag:s20], $0x2780  }
0x1f: {  	[sflag:s20] =	ssyncset.done $0x0  }
0x20: {  	[sflag:s20] =	ssyncadd.s32 $0xFFFFD880  }
0x21: {  	[bflag:$0x0] =	sbarrier.arrive $0xFFFF  }
0x22: {  	_ =	swait.ge [sflag:s21], $0x3E80  }
0x23: {  	[sflag:s21] =	ssyncset.done $0x0  }
0x24: {  	s29 =	simm.s32 $0x80;
	[sflag:s21] =	ssyncadd.s32 $0xFFFFC180  }
0x25: {  	[tilespmem:s22], [sflag:$0x2] =	stream.indirect.gather [hbm4b:s4+s18], $0x80, s29, s18, $0xb8;
	[tilespmem:$0x1E400] =	vst v63  }
0x26: {  	s29 =	simm.s32 $0x1400  }
0x27: {  	[spmem:s2] =	stream.indirect.scatter.add.f32 [tilespmem:s19], [sflag:$0x5], $0x80, s29, s18, $0xb8;
	[tilespmem:$0x1E400] =	vst v63  }
0x28: {  	_ =	swait.ge [sflag:s23], $0x3E80  }
0x29: {  	[sflag:s23] =	ssyncset.done $0x0  }
0x2a: {  	[sflag:s23] =	ssyncadd.s32 $0xFFFFC180  }
0x2b: {  	_ =	swait.ge [sflag:s17], $0x3E80  }
0x2c: {  	[sflag:s17] =	ssyncset.done $0x0  }
0x2d: {  	s29 =	simm.s32 $0x100;
	[sflag:s17] =	ssyncadd.s32 $0xFFFFC180  }
0x2e: {  	[tilespmem:s19], [sflag:$0x1] =	stream.indirect.gather [hbm4b:s4+s18], $0x80, s29, s18, $0xb8;
	[tilespmem:$0x1E400] =	vst v63  }
0x2f: {  	s29 =	simm.s32 $0x1480  }
0x30: {  	[spmem:s2] =	stream.indirect.scatter.add.f32 [tilespmem:s22], [sflag:$0x5], $0x80, s29, s18, $0xb8;
	[tilespmem:$0x1E400] =	vst v63  }
0x31: {  	_ =	swait.ge [sflag:s23], $0x3E80  }
0x32: {  	s29 =	simm.s32 $0x400;
	[sflag:s23] =	ssyncset.done $0x0  }
.LBB2_2:
0x33: {  	p0 =	sne.s32 s29, $0x4800  }
0x34: {  	[sflag:s23] =	ssyncadd.s32 $0xFFFFC180;
	s30 =	smov.u32 s29;
	s29 =	sadd.s32 $0x400, s29  }
0x35: {  	_ = 	snop  }
0x36: {  	_ =	swait.ge [sflag:s21], $0x3E80  }
0x37: {  	s30 =	sshra.s32 s30, $0x2;
	[sflag:s21] =	ssyncset.done $0x0  }
0x38: {  	s31 =	sadd.s32 $0x80, s30;
	[sflag:s21] =	ssyncadd.s32 $0xFFFFC180  }
0x39: {  	[tilespmem:s22], [sflag:$0x2] =	stream.indirect.gather [hbm4b:s4+s18], $0x80, s31, s18, $0xb8;
	[tilespmem:$0x1E400] =	vst v63  }
0x3a: {  	s31 =	sadd.s32 $0x1400, s30  }
0x3b: {  	[spmem:s2] =	stream.indirect.scatter.add.f32 [tilespmem:s19], [sflag:$0x5], $0x80, s31, s18, $0xb8;
	[tilespmem:$0x1E400] =	vst v63  }
0x3c: {  	_ =	swait.ge [sflag:s23], $0x3E80  }
0x3d: {  	[sflag:s23] =	ssyncset.done $0x0  }
0x3e: {  	[sflag:s23] =	ssyncadd.s32 $0xFFFFC180  }
0x3f: {  	_ =	swait.ge [sflag:s17], $0x3E80  }
0x40: {  	[sflag:s17] =	ssyncset.done $0x0  }
0x41: {  	s31 =	sadd.s32 $0x100, s30;
	[sflag:s17] =	ssyncadd.s32 $0xFFFFC180  }
0x42: {  	[tilespmem:s19], [sflag:$0x1] =	stream.indirect.gather [hbm4b:s4+s18], $0x80, s31, s18, $0xb8;
	[tilespmem:$0x1E400] =	vst v63  }
.Ltmp0:
0x43: {  	_ = 	snop;
	(pc) =	sbr.rel @p0 .LBB2_2-.Ltmp0, $4  }
0x44: {  	s30 =	sadd.s32 $0x1480, s30  }
0x45: {  	[spmem:s2] =	stream.indirect.scatter.add.f32 [tilespmem:s22], [sflag:$0x5], $0x80, s30, s18, $0xb8;
	[tilespmem:$0x1E400] =	vst v63  }
0x46: {  	_ =	swait.ge [sflag:s23], $0x3E80  }
0x47: {  	[sflag:s23] =	ssyncset.done $0x0  }
0x48: {  	[sflag:s23] =	ssyncadd.s32 $0xFFFFC180  }
0x49: {  	_ =	swait.ge [sflag:s21], $0x3E80  }
0x4a: {  	[sflag:s21] =	ssyncset.done $0x0  }
0x4b: {  	[sflag:s21] =	ssyncadd.s32 $0xFFFFC180  }
0x4c: {  	[tilespmem:s22], [sflag:$0x2] =	stream.indirect.gather [hbm4b:s4+s18], $0x80, s24, s18, $0xb8;
	[tilespmem:$0x1E400] =	vst v63  }
0x4d: {  	_ = 	snop  }
0x4e: {  	[spmem:s2] =	stream.indirect.scatter.add.f32 [tilespmem:s19], [sflag:$0x5], $0x80, s25, s18, $0xb8;
	[tilespmem:$0x1E400] =	vst v63  }
0x4f: {  	_ =	swait.ge [sflag:s23], $0x3E80  }
0x50: {  	[sflag:s23] =	ssyncset.done $0x0  }
0x51: {  	[sflag:s23] =	ssyncadd.s32 $0xFFFFC180  }
0x52: {  	_ =	swait.ge [sflag:s17], $0x3E80  }
0x53: {  	[sflag:s17] =	ssyncset.done $0x0  }
0x54: {  	[sflag:s17] =	ssyncadd.s32 $0xFFFFC180  }
0x55: {  	[spmem:s2] =	stream.indirect.scatter.add.f32 [tilespmem:s22], [sflag:$0x5], $0x80, s26, s18, $0xb8;
	[tilespmem:$0x1E400] =	vst v63  }
0x56: {  	_ =	swait.ge [sflag:s23], $0x3E80  }
0x57: {  	[sflag:s23] =	ssyncset.done $0x0  }
0x58: {  	s29 =	simm.s32 $0x0;
	[sflag:s23] =	ssyncadd.s32 $0xFFFFC180  }
0x59: {  	[tilespmem:s29], [sflag:$0x5] =	stream.linear.gather [hbm4b:s10+s29], $0x1400, $0x38;
	[tilespmem:$0x1E400] =	vst v63  }
0x5a: {  	_ =	swait.ge [sflag:s23], $0x1400  }
0x5b: {  	[sflag:s23] =	ssyncset.done $0x0  }
0x5c: {  	[sflag:s23] =	ssyncadd.s32 $0xFFFFEC00  }
0x5d: {  	[tilespmem:s15], [sflag:$0x5] =	stream.linear.gather [hbm4b:s11+s29], $0x1400, $0x38;
	[tilespmem:$0x1E400] =	vst v63  }
0x5e: {  	_ =	swait.ge [sflag:s23], $0x1400  }
0x5f: {  	[sflag:s23] =	ssyncset.done $0x0  }
0x60: {  	[sflag:s23] =	ssyncadd.s32 $0xFFFFEC00  }
0x61: {  	[tilespmem:s19], [sflag:$0x1] =	stream.indirect.gather [hbm4b:s4+s18], $0x80, s29, s18, $0xb8;
	[tilespmem:$0x1E400] =	vst v63  }
0x62: {  	_ =	swait.ge [sflag:s21], $0x3E80  }
0x63: {  	[sflag:s21] =	ssyncset.done $0x0  }
0x64: {  	s29 =	simm.s32 $0x80;
	[sflag:s21] =	ssyncadd.s32 $0xFFFFC180  }
0x65: {  	[tilespmem:s22], [sflag:$0x2] =	stream.indirect.gather [hbm4b:s4+s18], $0x80, s29, s18, $0xb8;
	[tilespmem:$0x1E400] =	vst v63  }
0x66: {  	s29 =	simm.s32 $0x1400  }
0x67: {  	[spmem:s2] =	stream.indirect.scatter.add.f32 [tilespmem:s19], [sflag:$0x5], $0x80, s29, s18, $0xb8;
	[tilespmem:$0x1E400] =	vst v63  }
0x68: {  	_ =	swait.ge [sflag:s23], $0x3E80  }
0x69: {  	[sflag:s23] =	ssyncset.done $0x0  }
0x6a: {  	[sflag:s23] =	ssyncadd.s32 $0xFFFFC180  }
0x6b: {  	_ =	swait.ge [sflag:s17], $0x3E80  }
0x6c: {  	[sflag:s17] =	ssyncset.done $0x0  }
0x6d: {  	s29 =	simm.s32 $0x100;
	[sflag:s17] =	ssyncadd.s32 $0xFFFFC180  }
0x6e: {  	[tilespmem:s19], [sflag:$0x1] =	stream.indirect.gather [hbm4b:s4+s18], $0x80, s29, s18, $0xb8;
	[tilespmem:$0x1E400] =	vst v63  }
0x6f: {  	s29 =	simm.s32 $0x1480  }
0x70: {  	[spmem:s2] =	stream.indirect.scatter.add.f32 [tilespmem:s22], [sflag:$0x5], $0x80, s29, s18, $0xb8;
	[tilespmem:$0x1E400] =	vst v63  }
0x71: {  	_ =	swait.ge [sflag:s23], $0x3E80  }
0x72: {  	s29 =	simm.s32 $0x400;
	[sflag:s23] =	ssyncset.done $0x0  }
.LBB2_4:
0x73: {  	p0 =	sne.s32 s29, $0x4800  }
0x74: {  	[sflag:s23] =	ssyncadd.s32 $0xFFFFC180;
	s30 =	smov.u32 s29;
	s29 =	sadd.s32 $0x400, s29  }
0x75: {  	_ = 	snop  }
0x76: {  	_ =	swait.ge [sflag:s21], $0x3E80  }
0x77: {  	s30 =	sshra.s32 s30, $0x2;
	[sflag:s21] =	ssyncset.done $0x0  }
0x78: {  	s31 =	sadd.s32 $0x80, s30;
	[sflag:s21] =	ssyncadd.s32 $0xFFFFC180  }
0x79: {  	[tilespmem:s22], [sflag:$0x2] =	stream.indirect.gather [hbm4b:s4+s18], $0x80, s31, s18, $0xb8;
	[tilespmem:$0x1E400] =	vst v63  }
0x7a: {  	s31 =	sadd.s32 $0x1400, s30  }
0x7b: {  	[spmem:s2] =	stream.indirect.scatter.add.f32 [tilespmem:s19], [sflag:$0x5], $0x80, s31, s18, $0xb8;
	[tilespmem:$0x1E400] =	vst v63  }
0x7c: {  	_ =	swait.ge [sflag:s23], $0x3E80  }
0x7d: {  	[sflag:s23] =	ssyncset.done $0x0  }
0x7e: {  	[sflag:s23] =	ssyncadd.s32 $0xFFFFC180  }
0x7f: {  	_ =	swait.ge [sflag:s17], $0x3E80  }
0x80: {  	[sflag:s17] =	ssyncset.done $0x0  }
0x81: {  	s31 =	sadd.s32 $0x100, s30;
	[sflag:s17] =	ssyncadd.s32 $0xFFFFC180  }
0x82: {  	[tilespmem:s19], [sflag:$0x1] =	stream.indirect.gather [hbm4b:s4+s18], $0x80, s31, s18, $0xb8;
	[tilespmem:$0x1E400] =	vst v63  }
.Ltmp1:
0x83: {  	_ = 	snop;
	(pc) =	sbr.rel @p0 .LBB2_4-.Ltmp1, $4  }
0x84: {  	s30 =	sadd.s32 $0x1480, s30  }
0x85: {  	[spmem:s2] =	stream.indirect.scatter.add.f32 [tilespmem:s22], [sflag:$0x5], $0x80, s30, s18, $0xb8;
	[tilespmem:$0x1E400] =	vst v63  }
0x86: {  	_ =	swait.ge [sflag:s23], $0x3E80  }
0x87: {  	[sflag:s23] =	ssyncset.done $0x0  }
0x88: {  	[sflag:s23] =	ssyncadd.s32 $0xFFFFC180  }
0x89: {  	_ =	swait.ge [sflag:s21], $0x3E80  }
0x8a: {  	[sflag:s21] =	ssyncset.done $0x0  }
0x8b: {  	[sflag:s21] =	ssyncadd.s32 $0xFFFFC180  }
0x8c: {  	[tilespmem:s22], [sflag:$0x2] =	stream.indirect.gather [hbm4b:s4+s18], $0x80, s24, s18, $0xb8;
	[tilespmem:$0x1E400] =	vst v63  }
0x8d: {  	_ = 	snop  }
0x8e: {  	[spmem:s2] =	stream.indirect.scatter.add.f32 [tilespmem:s19], [sflag:$0x5], $0x80, s25, s18, $0xb8;
	[tilespmem:$0x1E400] =	vst v63  }
0x8f: {  	_ =	swait.ge [sflag:s23], $0x3E80  }
0x90: {  	[sflag:s23] =	ssyncset.done $0x0  }
0x91: {  	[sflag:s23] =	ssyncadd.s32 $0xFFFFC180  }
0x92: {  	_ =	swait.ge [sflag:s17], $0x3E80  }
0x93: {  	[sflag:s17] =	ssyncset.done $0x0  }
0x94: {  	[sflag:s17] =	ssyncadd.s32 $0xFFFFC180  }
0x95: {  	[spmem:s2] =	stream.indirect.scatter.add.f32 [tilespmem:s22], [sflag:$0x5], $0x80, s26, s18, $0xb8;
	[tilespmem:$0x1E400] =	vst v63  }
0x96: {  	_ =	swait.ge [sflag:s23], $0x3E80  }
0x97: {  	s28 =	sadd.s32 $0x1, s28;
	[sflag:s23] =	ssyncset.done $0x0  }
0x98: {  	p0 =	sne.s32 s28, s13;
	[sflag:s23] =	ssyncadd.s32 $0xFFFFC180  }
.Ltmp2:
0x99: {  	s29 =	sor.u32 $0x1C05, s6;
	[bflag:$0x0] =	sbarrier.arrive $0xFFFF;
	(pc) =	sbr.rel @p0 .LBB2_1-.Ltmp2, $4  }
0x9a: {  	[hbm:s12], [sflag:s29] =	dma.local [spmem:s14], $0x2780  }
0x9b: {  	_ =	swait.ge [sflag:s23], $0x2780  }
0x9c: {  	[sflag:s23] =	ssyncset.done $0x0  }
0x9d: {  	[sflag:s23] =	ssyncadd.s32 $0xFFFFD880  }
0x9e: {  	_ =	sfence.sel $0x180000  }
0x9f: {  	[bflag:$0x0] =	sbarrier.arrive $0xFFFF  }
0xa0: {  	p0 =	sne.s32 s0, $0x0;
	_ =	strace $0x9000004D  }
0xa1: {  	s0 =	sadd.s32 @!p0 $0x100000, s1;
	[bflag:$0x2] =	sbarrier.arrive $0xFFFF  }
0xa2: {  	[sflag:s0] =	ssyncadd.tile.s32 @!p0 $0x1;
	_ =	shalt  }
.Lfunc_end2:
_tile_overlayer_lowered:
.L_overlay_start_2:
0xa3: {  	(tag) =	ssettag $0x2  }
0xa4: {  	s0 =	rddreg [dreg:$0x0];
	s2 =	stileid.u32  }
0xa5: {  	s1 =	rddreg [dreg:$0x1];
	p0 =	sne.s32 s2, $0x0  }
0xa6: {  	s3 =	rddreg [dreg:$0x2];
	[bflag:$0x3] =	sbarrier.arrive $0xFFFF;
	s2 =	simm.s32 @!p0 $0x1C05  }
0xa7: {  	[timem:s3], [sflag:s2] =	dma.local @!p0 [hbm:s0], s1  }
0xa8: {  	s0 =	simm.s32 @!p0 $0x5  }
0xa9: {  	_ =	swait.ge @!p0 [sflag:s0], s1  }
0xaa: {  	s1 =	ssub.s32 @!p0 $0x0, s1;
	[sflag:s0] =	ssyncset.done @!p0 $0x0  }
0xab: {  	[sflag:s0] =	ssyncadd.s32 @!p0 s1  }
0xac: {  	[bflag:$0x3] =	sbarrier.arrive $0xFFFF  }
0xad: {  	_ =	shalt  }

// kernel: kernel.8.cloned.1.call-start
scs
__scs_entry_jumppad:
0x0: {  	(pc) =	sbr.rel $0x88, $3  }
0x1: {  	(tag) =	ssettag $0x0;
	lr =	simm.s32 $0x1  }
0x2: {  	[smem:$0x3F96] =	sst lr;
	_ =	strace $0xD0000000  }
0x3: {  	_ = 	snop  }
0x4: {  	_ = 	snop  }
0x5: {  	_ = 	snop  }
0x6: {  	_ = 	snop  }
0x7: {  	_ = 	snop  }
__scs_overlays_trampoline_lowered:
0x8: {  	[smem:$0x3FA5] =	sst s0  }
0x9: {  	[smem:$0x3FA6] =	sst s1  }
0xa: {  	[smem:$0x3FA7] =	sst s2  }
0xb: {  	[smem:$0x3FA8] =	sst s3  }
0xc: {  	[smem:$0x3FA9] =	sst s4  }
0xd: {  	[smem:$0x3FAA] =	sst s5  }
0xe: {  	[smem:$0x3FAB] =	sst s6  }
0xf: {  	[smem:$0x3FAC] =	sst s7  }
0x10: {  	[smem:$0x3FAD] =	sst s8  }
0x11: {  	[smem:$0x3FAE] =	sst s9;
	s0 =	simm.s32 @!p0 $0x0  }
0x12: {  	s1 =	sld [smem:$0x3F94];
	s0 =	simm.s32 @p0 $0x1  }
0x13: {  	[smem:$0x3FAF] =	sst s0;
	s0 =	simm.s32 @!p1 $0x0  }
0x14: {  	s2 =	sld [smem:$0x3F93];
	s0 =	simm.s32 @p1 $0x1  }
0x15: {  	[smem:$0x3FB0] =	sst s0;
	s0 =	simm.s32 @!p2 $0x0  }
0x16: {  	s3 =	sld [smem:$0x3FDB];
	s0 =	simm.s32 @p2 $0x1  }
0x17: {  	s4 =	simm.s32 $0x1BF5;
	[smem:$0x3FB2] =	sst s0  }
0x18: {  	s0 =	sld [smem:$0x3F95];
	_ =	swait.ge [sflag:s4], $0x0  }
0x19: {  	s7 =	sld [smem:$0x3F96]  }
0x1a: {  	s8 =	sadd.s32 $0xFFFFE003, lr  }
0x1b: {  	s9 =	sadd.s32 $0xFFFFFEF7, lr;
	s5 =	simm.s32 $0xFFFFFFFF;
	p2 =	slt.u32 s8, $0xFFFFF086  }
0x1c: {  	p1 =	slt.u32 s9, $0xF7A;
	s5 =	simm.s32 @!p2 $0x0  }
0x1d: {  	s5 =	simm.s32 @p1 $0x1;
	p0 =	seq.s32 s7, s2  }
0x1e: {  	s7 =	smul.u32 @!p0 $0xF7A, s2;
	p2 =	seq.s32 @!p0 s5, $0x0  }
0x1f: {  	s9 =	smul.u32 $0xF7A, s1;
	s8 =	simm.s32 @!p0 $0x1BF5;
	p2 =	por !p2, p0  }
0x20: {  	[sflag:s8] =	ssyncset.s32 @!p0 $0xFFFFF086;
	s6 =	sadd.s32 @!p0 s3, s7;
	s7 =	simm.s32 @!p0 $0x108  }
0x21: {  	s3 =	sadd.s32 s3, s9;
	s6 =	sadd.s32 @!p0 $0x88, s6;
	s7 =	simm.s32 @p2 $0x1082  }
0x22: {  	[simem:s7], [sflag:s8] =	dma.local @!p0 [hbm:s6], $0xF7A  }
0x23: {  	s9 =	sor.u32 $0xD0000000, s2;
	s6 =	simm.s32 $0x108;
	_ =	swait.ge @!p0 [sflag:s8], $0x0  }
0x24: {  	s3 =	sadd.s32 $0x88, s3;
	s6 =	simm.s32 @!p1 $0x1082;
	[sflag:s4] =	ssyncset.s32 $0xFFFFF086  }
0x25: {  	[simem:s6], [sflag:s4] =	dma.local [hbm:s3], $0xF7A  }
0x26: {  	[smem:$0x3F96] =	sst s1;
	(tag) =	ssettag s2;
	_ =	strace s9  }
0x27: {  	s1 =	sld [smem:$0x3FA6]  }
0x28: {  	s2 =	sld [smem:$0x3FA7]  }
0x29: {  	s4 =	sld [smem:$0x3FA9]  }
0x2a: {  	p0 =	seq.s32 s5, $0x0;
	s5 =	sld [smem:$0x3FAA]  }
0x2b: {  	s6 =	sld [smem:$0x3FAB]  }
0x2c: {  	s7 =	sld [smem:$0x3FAC]  }
0x2d: {  	s3 =	simm.s32 $0x108;
	s8 =	sld [smem:$0x3FAD]  }
0x2e: {  	s3 =	simm.s32 @!p0 $0x1082;
	s9 =	sld [smem:$0x3FAE]  }
0x2f: {  	lr =	sadd.s32 s0, s3;
	s0 =	sld [smem:$0x3FA5]  }
0x30: {  	s3 =	sld [smem:$0x3FA8]  }
0x31: {  	[smem:$0x3FB1] =	sst s10  }
0x32: {  	s10 =	sld [smem:$0x3FAF];
	_ =	sdelay $0x3  }
0x33: {  	p0 =	seq.s32 s10, $0x1;
	s10 =	sld [smem:$0x3FB1];
	_ =	sdelay $0x3  }
0x34: {  	[smem:$0x3FB1] =	sst s10  }
0x35: {  	s10 =	sld [smem:$0x3FB0];
	_ =	sdelay $0x3  }
0x36: {  	p1 =	seq.s32 s10, $0x1;
	s10 =	sld [smem:$0x3FB1];
	_ =	sdelay $0x3  }
0x37: {  	[smem:$0x3FB1] =	sst s10  }
0x38: {  	s10 =	sld [smem:$0x3FB2]  }
0x39: {  	_ = 	snop;
	(pc) =	sbr.ind lr, $3  }
0x3a: {  	_ = 	snop  }
0x3b: {  	_ = 	snop  }
0x3c: {  	p2 =	seq.s32 s10, $0x1;
	s10 =	sld [smem:$0x3FB1]  }
0x3d: {  	_ =	shalt  }
0x3e: {  	_ =	shalt  }
0x3f: {  	_ =	shalt  }
0x40: {  	_ =	shalt  }
0x41: {  	_ =	shalt  }
0x42: {  	_ =	shalt  }
0x43: {  	_ =	shalt  }
0x44: {  	_ =	shalt  }
0x45: {  	_ =	shalt  }
0x46: {  	_ =	shalt  }
0x47: {  	_ =	shalt  }
0x48: {  	_ =	shalt  }
0x49: {  	_ =	shalt  }
0x4a: {  	_ =	shalt  }
0x4b: {  	_ =	shalt  }
0x4c: {  	_ =	shalt  }
0x4d: {  	_ =	shalt  }
0x4e: {  	_ =	shalt  }
0x4f: {  	_ =	shalt  }
0x50: {  	_ =	shalt  }
0x51: {  	_ =	shalt  }
0x52: {  	_ =	shalt  }
0x53: {  	_ =	shalt  }
0x54: {  	_ =	shalt  }
0x55: {  	_ =	shalt  }
0x56: {  	_ =	shalt  }
0x57: {  	_ =	shalt  }
0x58: {  	_ =	shalt  }
0x59: {  	_ =	shalt  }
0x5a: {  	_ =	shalt  }
0x5b: {  	_ =	shalt  }
0x5c: {  	_ =	shalt  }
0x5d: {  	_ =	shalt  }
0x5e: {  	_ =	shalt  }
0x5f: {  	_ =	shalt  }
0x60: {  	_ =	shalt  }
0x61: {  	_ =	shalt  }
0x62: {  	_ =	shalt  }
0x63: {  	_ =	shalt  }
0x64: {  	_ =	shalt  }
0x65: {  	_ =	shalt  }
0x66: {  	_ =	shalt  }
0x67: {  	_ =	shalt  }
0x68: {  	_ =	shalt  }
0x69: {  	_ =	shalt  }
0x6a: {  	_ =	shalt  }
0x6b: {  	_ =	shalt  }
0x6c: {  	_ =	shalt  }
0x6d: {  	_ =	shalt  }
0x6e: {  	_ =	shalt  }
0x6f: {  	_ =	shalt  }
0x70: {  	_ =	shalt  }
0x71: {  	_ =	shalt  }
0x72: {  	_ =	shalt  }
0x73: {  	_ =	shalt  }
0x74: {  	_ =	shalt  }
0x75: {  	_ =	shalt  }
0x76: {  	_ =	shalt  }
0x77: {  	_ =	shalt  }
0x78: {  	_ =	shalt  }
0x79: {  	_ =	shalt  }
0x7a: {  	_ =	shalt  }
0x7b: {  	_ =	shalt  }
0x7c: {  	_ =	shalt  }
0x7d: {  	_ =	shalt  }
0x7e: {  	_ =	shalt  }
0x7f: {  	_ =	shalt  }
0x80: {  	_ =	shalt  }
0x81: {  	_ =	shalt  }
0x82: {  	_ =	shalt  }
0x83: {  	_ =	shalt  }
0x84: {  	_ =	shalt  }
0x85: {  	_ =	shalt  }
0x86: {  	_ =	shalt  }
0x87: {  	_ =	shalt  }
.Lfunc_end0:
.L_simem_size_0:
called_computation_lowered:
.L_overlay_start_0:
0x88: {  	s2 =	sld [smem:$0x3FD9]  }
0x89: {  	s3 =	sld [smem:$0x3FFE];
	_ =	sdelay $0x1  }
0x8a: {  	s1 =	srdreg.scid  }
0x8b: {  	s0 =	sand.u32 $0x1, s1  }
0x8c: {  	s17 =	sshll.u32 s0, $0xA;
	s2 =	sadd.s32 s3, s2  }
0x8d: {  	s2 =	sadd.s32 s2, s17  }
0x8e: {  	[smem:$0x3FBD] =	sst s2  }
0x8f: {  	_ = 	snop  }
0x90: {  	s2 =	sld [smem:$0x3FC9];
	(tm) =	ssettm $0x1  }
0x91: {  	s18 =	sld [smem:$0x3FFB];
	_ =	sdelay $0x3  }
0x92: {  	_ =	strace s18  }
0x93: {  	s3 =	sld [smem:$0x3FFC];
	_ =	sdelay $0x3  }
0x94: {  	_ =	strace s3  }
0x95: {  	s3 =	sld [smem:$0x3FFD];
	_ =	sdelay $0x3  }
0x96: {  	_ =	strace s3  }
0x97: {  	_ =	strace $0x8FFFFFFF  }
0x98: {  	s19 =	sld [smem:$0x3FDB];
	_ =	sdelay $0x1  }
0x99: {  	s4 =	simm.s32 $_scs_section_size  }
0x9a: {  	s5 =	simm.s32 $_size__tile_overlayer_lowered;
	s6 =	simm.s32 $_tile_overlayer_lowered  }
0x9b: {  	s22 =	simm.s32 $0x1BFF;
	s21 =	sshll.u32 s6, $0x1;
	s3 =	sadd.s32 s4, s19  }
0x9c: {  	s7 =	simm.s32 $0x0;
	s20 =	sshll.u32 s5, $0x1;
	s5 =	sadd.s32 s21, s3  }
0x9d: {  	[timem:s7], [sflag:s22] =	dma.local [hbm:s5], s20  }
0x9e: {  	_ =	swait.ge [sflag:s22], s20  }
0x9f: {  	s4 =	ssub.s32 $0x0, s20;
	[sflag:s22] =	ssyncset.done $0x0  }
0xa0: {  	[sflag:s22] =	ssyncadd.s32 s4;
	_ =	sdelay $0x1  }
0xa1: {  	s23 =	simm.s32 $0x1B8B  }
0xa2: {  	_ =	swait.ge [sflag:s23], $0x1  }
0xa3: {  	[sflag:s23] =	ssyncset.done $0x0  }
0xa4: {  	s25 =	simm.s32 $0x1B8E;
	s24 =	sld [smem:$0x3FFE];
	[sflag:s23] =	ssyncadd.s32 $0xFFFFFFFF  }
0xa5: {  	s26 =	simm.s32 $execute0_lowered;
	[smem:$0x3FD2] =	sst s25  }
0xa6: {  	s5 =	sshll.u32 s26, $0x1;
	_ =	strace $0x80000046;
	[dreg:$0x1] =	wrdreg $0xFFFFFFFF  }
0xa7: {  	s28 =	simm.s32 $_size_execute0_lowered;
	s3 =	sadd.s32 s3, s5;
	[dreg:$0x0] =	wrdreg $0x0  }
0xa8: {  	s5 =	sshll.u32 s28, $0x1;
	[dreg:$0x2] =	wrdreg s3  }
0xa9: {  	[dreg:$0x3] =	wrdreg s5  }
0xaa: {  	[dreg:$0x4] =	wrdreg $0xC0  }
0xab: {  	_ =	task [dreg:s7], $0x5FFFF  }
0xac: {  	[dreg:$0x1] =	wrdreg $0xFFFFFFFF  }
0xad: {  	[dreg:$0x0] =	wrdreg $0x60  }
0xae: {  	[dreg:$0x2] =	wrdreg s2  }
0xaf: {  	[dreg:$0x3] =	wrdreg s24  }
0xb0: {  	[dreg:$0x4] =	wrdreg $0xA8000  }
0xb1: {  	[dreg:$0x5] =	wrdreg $0x9  }
0xb2: {  	_ =	task.clear_ibuf [dreg:s7], $0x6FFFF;
	_ =	strace $0x90000046  }
0xb3: {  	s29 =	simm.s32 $0x9;
	_ =	strace $0x80000048  }
0xb4: {  	_ =	swait.ge [sflag:s29], $0x1  }
0xb5: {  	[sflag:s29] =	ssyncadd.s32 $0xFFFFFFFF  }
0xb6: {  	_ =	strace $0x90000048  }
0xb7: {  	_ =	sfence  }
0xb8: {  	s30 =	sld [smem:$0x0];
	_ =	sdelay $0x2  }
0xb9: {  	s31 =	sshll.u32 s1, $0xD;
	s1 =	sshrl.u32 s1, $0x2  }
0xba: {  	s3 =	sand.u32 $0x4000, s31;
	s1 =	sadd.s32 s1, s30  }
0xbb: {  	s0 =	sor.u32 s3, s0;
	s1 =	sshll.u32 s1, $0x11  }
0xbc: {  	s0 =	sor.u32 s1, s0  }
0xbd: {  	s0 =	sadd.s32 $0x8F2B, s0  }
0xbe: {  	[sflag:s0] =	ssyncadd.remote.s32 $0x1  }
0xbf: {  	_ =	sfence.sel $0xFFFF  }
0xc0: {  	[dreg:$0x0] =	wrdreg $0xFFFFFFFF;
	(pc) =	sbr.abs _section_cstart, $3  }
0xc1: {  	[dreg:$0x1] =	wrdreg $0xFFFFFFFF  }
0xc2: {  	_ =	task.clear_ibuf [dreg:s7], $0x2FFFF;
	_ =	strace $0x9FFFFFFF  }
0xc3: {  	(tm) =	ssettm $0x7FFFFFFF  }
tec
execute0_lowered:
.L_overlay_start_1:
0x0: {  	(tag) =	ssettag $0x1  }
0x1: {  	s1 =	rddreg [dreg:$0x0]  }
0x2: {  	s0 =	srdreg.scid;
	s6 =	rddreg [dreg:$0x1]  }
0x3: {  	s3 =	rddreg [dreg:$0x2];
	s4 =	simm.s32 $0x0;
	s15 =	simm.s32 $0x1400  }
0x4: {  	s16 =	simm.s32 $0x4;
	s17 =	simm.s32 $0x2;
	s18 =	simm.s32 $0x7D  }
0x5: {  	s19 =	simm.s32 $0x2800;
	s20 =	simm.s32 $0x3;
	s21 =	simm.s32 $0x1  }
0x6: {  	s22 =	simm.s32 $0x6800;
	s23 =	simm.s32 $0x5;
	s24 =	simm.s32 $0x1380  }
0x7: {  	s25 =	simm.s32 $0x2700;
	s5 =	sand.u32 $0x1, s0;
	s0 =	stileid.u32  }
0x8: {  	s26 =	simm.s32 $0x2780;
	s28 =	simm.s32 $0x0;
	s8 =	smul.u32 $0x13C00, s0  }
0x9: {  	[smem:$0x7FF] =	sst s4;
	s2 =	sshll.u32 s5, $0x4;
	s9 =	smul.u32 $0x13C000, s5  }
0xa: {  	s5 =	ssub.s32 $0x2, s5;
	s30 =	smul.u32 $0x4F000, s0;
	s2 =	sor.u32 s0, s2  }
0xb: {  	s10 =	sshrl.u32 s5, $0x1;
	s7 =	smul.u32 $0x2800, s2;
	s2 =	rddreg [dreg:$0x3]  }
0xc: {  	_ =	strace $0x80000047;
	s29 =	sshrl.u32 s8, $0x3;
	s8 =	sadd.s32 s8, s9  }
0xd: {  	s13 =	ssub.s32 s5, s10;
	s31 =	sshrl.u32 s30, $0x2;
	s8 =	sshrl.u32 s8, $0x3  }
0xe: {  	s14 =	sadd.s32 s31, s3;
	s13 =	smax.u32 s13, $0x1;
	s7 =	sshrl.u32 s7, $0x3  }
0xf: {  	s12 =	sadd.s32 s8, s6;
	s14 =	sshrl.u32 s14, $0x3;
	s11 =	sadd.s32 s7, s6  }
0x10: {  	s7 =	sadd.s32 s29, s6;
	s6 =	sshll.u32 s0, $0x6;
	s12 =	sadd.s32 $0x3EC00, s12  }
0x11: {  	s5 =	sadd.s32 $0x17400, s7;
	s7 =	sor.u32 $0x1C03, s6;
	s8 =	sadd.s32 $0x3400, s11  }
0x12: {  	s9 =	sadd.s32 $0xD400, s11;
	s10 =	sadd.s32 $0x3680, s11;
	s11 =	sadd.s32 $0xD680, s11  }
.LBB2_1:
0x13: {  	[spmem:s14], [sflag:s7] =	dma.local [hbm:s5], $0x2780  }
0x14: {  	[tilespmem:s4], [sflag:$0x4] =	stream.linear.gather [hbm4b:s8+s4], $0x1400, $0x38;
	[tilespmem:$0x1E400] =	vst v63  }
0x15: {  	_ = 	snop  }
0x16: {  	[tilespmem:s15], [sflag:$0x2] =	stream.linear.gather [hbm4b:s9+s4], $0x1400, $0x38;
	[tilespmem:$0x1E400] =	vst v63  }
0x17: {  	_ =	swait.ge [sflag:s16], $0x1400  }
0x18: {  	[sflag:s16] =	ssyncset.done $0x0  }
0x19: {  	[sflag:s16] =	ssyncadd.s32 $0xFFFFEC00  }
0x1a: {  	_ =	swait.ge [sflag:s17], $0x1400  }
0x1b: {  	[sflag:s17] =	ssyncset.done $0x0  }
0x1c: {  	[sflag:s17] =	ssyncadd.s32 $0xFFFFEC00  }
0x1d: {  	[tilespmem:s19], [sflag:$0x1] =	stream.indirect.gather [hbm4b:s1+s18], $0x80, s4, s18, $0xb8;
	[tilespmem:$0x1E400] =	vst v63  }
0x1e: {  	_ =	swait.ge [sflag:s20], $0x2780  }
0x1f: {  	[sflag:s20] =	ssyncset.done $0x0  }
0x20: {  	[sflag:s20] =	ssyncadd.s32 $0xFFFFD880  }
0x21: {  	[bflag:$0x0] =	sbarrier.arrive $0xFFFF  }
0x22: {  	_ =	swait.ge [sflag:s21], $0x3E80  }
0x23: {  	[sflag:s21] =	ssyncset.done $0x0  }
0x24: {  	s29 =	simm.s32 $0x80;
	[sflag:s21] =	ssyncadd.s32 $0xFFFFC180  }
0x25: {  	[tilespmem:s22], [sflag:$0x2] =	stream.indirect.gather [hbm4b:s1+s18], $0x80, s29, s18, $0xb8;
	[tilespmem:$0x1E400] =	vst v63  }
0x26: {  	s29 =	simm.s32 $0x1400  }
0x27: {  	[spmem:s3] =	stream.indirect.scatter.add.f32 [tilespmem:s19], [sflag:$0x5], $0x80, s29, s18, $0xb8;
	[tilespmem:$0x1E400] =	vst v63  }
0x28: {  	_ =	swait.ge [sflag:s23], $0x3E80  }
0x29: {  	[sflag:s23] =	ssyncset.done $0x0  }
0x2a: {  	[sflag:s23] =	ssyncadd.s32 $0xFFFFC180  }
0x2b: {  	_ =	swait.ge [sflag:s17], $0x3E80  }
0x2c: {  	[sflag:s17] =	ssyncset.done $0x0  }
0x2d: {  	s29 =	simm.s32 $0x100;
	[sflag:s17] =	ssyncadd.s32 $0xFFFFC180  }
0x2e: {  	[tilespmem:s19], [sflag:$0x1] =	stream.indirect.gather [hbm4b:s1+s18], $0x80, s29, s18, $0xb8;
	[tilespmem:$0x1E400] =	vst v63  }
0x2f: {  	s29 =	simm.s32 $0x1480  }
0x30: {  	[spmem:s3] =	stream.indirect.scatter.add.f32 [tilespmem:s22], [sflag:$0x5], $0x80, s29, s18, $0xb8;
	[tilespmem:$0x1E400] =	vst v63  }
0x31: {  	_ =	swait.ge [sflag:s23], $0x3E80  }
0x32: {  	s29 =	simm.s32 $0x400;
	[sflag:s23] =	ssyncset.done $0x0  }
.LBB2_2:
0x33: {  	p0 =	sne.s32 s29, $0x4800  }
0x34: {  	[sflag:s23] =	ssyncadd.s32 $0xFFFFC180;
	s30 =	smov.u32 s29;
	s29 =	sadd.s32 $0x400, s29  }
0x35: {  	_ = 	snop  }
0x36: {  	_ =	swait.ge [sflag:s21], $0x3E80  }
0x37: {  	s30 =	sshra.s32 s30, $0x2;
	[sflag:s21] =	ssyncset.done $0x0  }
0x38: {  	s31 =	sadd.s32 $0x80, s30;
	[sflag:s21] =	ssyncadd.s32 $0xFFFFC180  }
0x39: {  	[tilespmem:s22], [sflag:$0x2] =	stream.indirect.gather [hbm4b:s1+s18], $0x80, s31, s18, $0xb8;
	[tilespmem:$0x1E400] =	vst v63  }
0x3a: {  	s31 =	sadd.s32 $0x1400, s30  }
0x3b: {  	[spmem:s3] =	stream.indirect.scatter.add.f32 [tilespmem:s19], [sflag:$0x5], $0x80, s31, s18, $0xb8;
	[tilespmem:$0x1E400] =	vst v63  }
0x3c: {  	_ =	swait.ge [sflag:s23], $0x3E80  }
0x3d: {  	[sflag:s23] =	ssyncset.done $0x0  }
0x3e: {  	[sflag:s23] =	ssyncadd.s32 $0xFFFFC180  }
0x3f: {  	_ =	swait.ge [sflag:s17], $0x3E80  }
0x40: {  	[sflag:s17] =	ssyncset.done $0x0  }
0x41: {  	s31 =	sadd.s32 $0x100, s30;
	[sflag:s17] =	ssyncadd.s32 $0xFFFFC180  }
0x42: {  	[tilespmem:s19], [sflag:$0x1] =	stream.indirect.gather [hbm4b:s1+s18], $0x80, s31, s18, $0xb8;
	[tilespmem:$0x1E400] =	vst v63  }
.Ltmp0:
0x43: {  	_ = 	snop;
	(pc) =	sbr.rel @p0 .LBB2_2-.Ltmp0, $4  }
0x44: {  	s30 =	sadd.s32 $0x1480, s30  }
0x45: {  	[spmem:s3] =	stream.indirect.scatter.add.f32 [tilespmem:s22], [sflag:$0x5], $0x80, s30, s18, $0xb8;
	[tilespmem:$0x1E400] =	vst v63  }
0x46: {  	_ =	swait.ge [sflag:s23], $0x3E80  }
0x47: {  	[sflag:s23] =	ssyncset.done $0x0  }
0x48: {  	[sflag:s23] =	ssyncadd.s32 $0xFFFFC180  }
0x49: {  	_ =	swait.ge [sflag:s21], $0x3E80  }
0x4a: {  	[sflag:s21] =	ssyncset.done $0x0  }
0x4b: {  	[sflag:s21] =	ssyncadd.s32 $0xFFFFC180  }
0x4c: {  	[tilespmem:s22], [sflag:$0x2] =	stream.indirect.gather [hbm4b:s1+s18], $0x80, s24, s18, $0xb8;
	[tilespmem:$0x1E400] =	vst v63  }
0x4d: {  	_ = 	snop  }
0x4e: {  	[spmem:s3] =	stream.indirect.scatter.add.f32 [tilespmem:s19], [sflag:$0x5], $0x80, s25, s18, $0xb8;
	[tilespmem:$0x1E400] =	vst v63  }
0x4f: {  	_ =	swait.ge [sflag:s23], $0x3E80  }
0x50: {  	[sflag:s23] =	ssyncset.done $0x0  }
0x51: {  	[sflag:s23] =	ssyncadd.s32 $0xFFFFC180  }
0x52: {  	_ =	swait.ge [sflag:s17], $0x3E80  }
0x53: {  	[sflag:s17] =	ssyncset.done $0x0  }
0x54: {  	[sflag:s17] =	ssyncadd.s32 $0xFFFFC180  }
0x55: {  	[spmem:s3] =	stream.indirect.scatter.add.f32 [tilespmem:s22], [sflag:$0x5], $0x80, s26, s18, $0xb8;
	[tilespmem:$0x1E400] =	vst v63  }
0x56: {  	_ =	swait.ge [sflag:s23], $0x3E80  }
0x57: {  	[sflag:s23] =	ssyncset.done $0x0  }
0x58: {  	s29 =	simm.s32 $0x0;
	[sflag:s23] =	ssyncadd.s32 $0xFFFFC180  }
0x59: {  	[tilespmem:s29], [sflag:$0x5] =	stream.linear.gather [hbm4b:s10+s29], $0x1400, $0x38;
	[tilespmem:$0x1E400] =	vst v63  }
0x5a: {  	_ =	swait.ge [sflag:s23], $0x1400  }
0x5b: {  	[sflag:s23] =	ssyncset.done $0x0  }
0x5c: {  	[sflag:s23] =	ssyncadd.s32 $0xFFFFEC00  }
0x5d: {  	[tilespmem:s15], [sflag:$0x5] =	stream.linear.gather [hbm4b:s11+s29], $0x1400, $0x38;
	[tilespmem:$0x1E400] =	vst v63  }
0x5e: {  	_ =	swait.ge [sflag:s23], $0x1400  }
0x5f: {  	[sflag:s23] =	ssyncset.done $0x0  }
0x60: {  	[sflag:s23] =	ssyncadd.s32 $0xFFFFEC00  }
0x61: {  	[tilespmem:s19], [sflag:$0x1] =	stream.indirect.gather [hbm4b:s1+s18], $0x80, s29, s18, $0xb8;
	[tilespmem:$0x1E400] =	vst v63  }
0x62: {  	_ =	swait.ge [sflag:s21], $0x3E80  }
0x63: {  	[sflag:s21] =	ssyncset.done $0x0  }
0x64: {  	s29 =	simm.s32 $0x80;
	[sflag:s21] =	ssyncadd.s32 $0xFFFFC180  }
0x65: {  	[tilespmem:s22], [sflag:$0x2] =	stream.indirect.gather [hbm4b:s1+s18], $0x80, s29, s18, $0xb8;
	[tilespmem:$0x1E400] =	vst v63  }
0x66: {  	s29 =	simm.s32 $0x1400  }
0x67: {  	[spmem:s3] =	stream.indirect.scatter.add.f32 [tilespmem:s19], [sflag:$0x5], $0x80, s29, s18, $0xb8;
	[tilespmem:$0x1E400] =	vst v63  }
0x68: {  	_ =	swait.ge [sflag:s23], $0x3E80  }
0x69: {  	[sflag:s23] =	ssyncset.done $0x0  }
0x6a: {  	[sflag:s23] =	ssyncadd.s32 $0xFFFFC180  }
0x6b: {  	_ =	swait.ge [sflag:s17], $0x3E80  }
0x6c: {  	[sflag:s17] =	ssyncset.done $0x0  }
0x6d: {  	s29 =	simm.s32 $0x100;
	[sflag:s17] =	ssyncadd.s32 $0xFFFFC180  }
0x6e: {  	[tilespmem:s19], [sflag:$0x1] =	stream.indirect.gather [hbm4b:s1+s18], $0x80, s29, s18, $0xb8;
	[tilespmem:$0x1E400] =	vst v63  }
0x6f: {  	s29 =	simm.s32 $0x1480  }
0x70: {  	[spmem:s3] =	stream.indirect.scatter.add.f32 [tilespmem:s22], [sflag:$0x5], $0x80, s29, s18, $0xb8;
	[tilespmem:$0x1E400] =	vst v63  }
0x71: {  	_ =	swait.ge [sflag:s23], $0x3E80  }
0x72: {  	s29 =	simm.s32 $0x400;
	[sflag:s23] =	ssyncset.done $0x0  }
.LBB2_4:
0x73: {  	p0 =	sne.s32 s29, $0x4800  }
0x74: {  	[sflag:s23] =	ssyncadd.s32 $0xFFFFC180;
	s30 =	smov.u32 s29;
	s29 =	sadd.s32 $0x400, s29  }
0x75: {  	_ = 	snop  }
0x76: {  	_ =	swait.ge [sflag:s21], $0x3E80  }
0x77: {  	s30 =	sshra.s32 s30, $0x2;
	[sflag:s21] =	ssyncset.done $0x0  }
0x78: {  	s31 =	sadd.s32 $0x80, s30;
	[sflag:s21] =	ssyncadd.s32 $0xFFFFC180  }
0x79: {  	[tilespmem:s22], [sflag:$0x2] =	stream.indirect.gather [hbm4b:s1+s18], $0x80, s31, s18, $0xb8;
	[tilespmem:$0x1E400] =	vst v63  }
0x7a: {  	s31 =	sadd.s32 $0x1400, s30  }
0x7b: {  	[spmem:s3] =	stream.indirect.scatter.add.f32 [tilespmem:s19], [sflag:$0x5], $0x80, s31, s18, $0xb8;
	[tilespmem:$0x1E400] =	vst v63  }
0x7c: {  	_ =	swait.ge [sflag:s23], $0x3E80  }
0x7d: {  	[sflag:s23] =	ssyncset.done $0x0  }
0x7e: {  	[sflag:s23] =	ssyncadd.s32 $0xFFFFC180  }
0x7f: {  	_ =	swait.ge [sflag:s17], $0x3E80  }
0x80: {  	[sflag:s17] =	ssyncset.done $0x0  }
0x81: {  	s31 =	sadd.s32 $0x100, s30;
	[sflag:s17] =	ssyncadd.s32 $0xFFFFC180  }
0x82: {  	[tilespmem:s19], [sflag:$0x1] =	stream.indirect.gather [hbm4b:s1+s18], $0x80, s31, s18, $0xb8;
	[tilespmem:$0x1E400] =	vst v63  }
.Ltmp1:
0x83: {  	_ = 	snop;
	(pc) =	sbr.rel @p0 .LBB2_4-.Ltmp1, $4  }
0x84: {  	s30 =	sadd.s32 $0x1480, s30  }
0x85: {  	[spmem:s3] =	stream.indirect.scatter.add.f32 [tilespmem:s22], [sflag:$0x5], $0x80, s30, s18, $0xb8;
	[tilespmem:$0x1E400] =	vst v63  }
0x86: {  	_ =	swait.ge [sflag:s23], $0x3E80  }
0x87: {  	[sflag:s23] =	ssyncset.done $0x0  }
0x88: {  	[sflag:s23] =	ssyncadd.s32 $0xFFFFC180  }
0x89: {  	_ =	swait.ge [sflag:s21], $0x3E80  }
0x8a: {  	[sflag:s21] =	ssyncset.done $0x0  }
0x8b: {  	[sflag:s21] =	ssyncadd.s32 $0xFFFFC180  }
0x8c: {  	[tilespmem:s22], [sflag:$0x2] =	stream.indirect.gather [hbm4b:s1+s18], $0x80, s24, s18, $0xb8;
	[tilespmem:$0x1E400] =	vst v63  }
0x8d: {  	_ = 	snop  }
0x8e: {  	[spmem:s3] =	stream.indirect.scatter.add.f32 [tilespmem:s19], [sflag:$0x5], $0x80, s25, s18, $0xb8;
	[tilespmem:$0x1E400] =	vst v63  }
0x8f: {  	_ =	swait.ge [sflag:s23], $0x3E80  }
0x90: {  	[sflag:s23] =	ssyncset.done $0x0  }
0x91: {  	[sflag:s23] =	ssyncadd.s32 $0xFFFFC180  }
0x92: {  	_ =	swait.ge [sflag:s17], $0x3E80  }
0x93: {  	[sflag:s17] =	ssyncset.done $0x0  }
0x94: {  	[sflag:s17] =	ssyncadd.s32 $0xFFFFC180  }
0x95: {  	[spmem:s3] =	stream.indirect.scatter.add.f32 [tilespmem:s22], [sflag:$0x5], $0x80, s26, s18, $0xb8;
	[tilespmem:$0x1E400] =	vst v63  }
0x96: {  	_ =	swait.ge [sflag:s23], $0x3E80  }
0x97: {  	s28 =	sadd.s32 $0x1, s28;
	[sflag:s23] =	ssyncset.done $0x0  }
0x98: {  	p0 =	sne.s32 s28, s13;
	[sflag:s23] =	ssyncadd.s32 $0xFFFFC180  }
.Ltmp2:
0x99: {  	s29 =	sor.u32 $0x1C05, s6;
	[bflag:$0x0] =	sbarrier.arrive $0xFFFF;
	(pc) =	sbr.rel @p0 .LBB2_1-.Ltmp2, $4  }
0x9a: {  	[hbm:s12], [sflag:s29] =	dma.local [spmem:s14], $0x2780  }
0x9b: {  	_ =	swait.ge [sflag:s23], $0x2780  }
0x9c: {  	[sflag:s23] =	ssyncset.done $0x0  }
0x9d: {  	[sflag:s23] =	ssyncadd.s32 $0xFFFFD880  }
0x9e: {  	_ =	sfence.sel $0x180000  }
0x9f: {  	[bflag:$0x0] =	sbarrier.arrive $0xFFFF  }
0xa0: {  	p0 =	sne.s32 s0, $0x0;
	_ =	strace $0x90000047  }
0xa1: {  	s0 =	sadd.s32 @!p0 $0x100000, s2;
	[bflag:$0x2] =	sbarrier.arrive $0xFFFF  }
0xa2: {  	[sflag:s0] =	ssyncadd.tile.s32 @!p0 $0x1;
	_ =	shalt  }
.Lfunc_end2:
_tile_overlayer_lowered:
.L_overlay_start_2:
0xa3: {  	(tag) =	ssettag $0x2  }
0xa4: {  	s0 =	rddreg [dreg:$0x0];
	s2 =	stileid.u32  }
0xa5: {  	s1 =	rddreg [dreg:$0x1];
	p0 =	sne.s32 s2, $0x0  }
0xa6: {  	s3 =	rddreg [dreg:$0x2];
	[bflag:$0x3] =	sbarrier.arrive $0xFFFF;
	s2 =	simm.s32 @!p0 $0x1C05  }
0xa7: {  	[timem:s3], [sflag:s2] =	dma.local @!p0 [hbm:s0], s1  }
0xa8: {  	s0 =	simm.s32 @!p0 $0x5  }
0xa9: {  	_ =	swait.ge @!p0 [sflag:s0], s1  }
0xaa: {  	s1 =	ssub.s32 @!p0 $0x0, s1;
	[sflag:s0] =	ssyncset.done @!p0 $0x0  }
0xab: {  	[sflag:s0] =	ssyncadd.s32 @!p0 s1  }
0xac: {  	[bflag:$0x3] =	sbarrier.arrive $0xFFFF  }
0xad: {  	_ =	shalt  }

</sc_bundles>
